<compile_context>
chip_gen: v7x
topology: tpu7x:2x2x1
jax: 0.10.2.dev20260603
libtpu: 0.0.44.dev20260713+nightly
codegen_flags: <defaults>
</compile_context>

<pallas_src>
import jax
import jax.numpy as jnp
from jax import lax
from jax.experimental import pallas as pl
from jax.experimental.pallas import tpu as pltpu
from jax.experimental.pallas import tpu_sc as plsc

N = 4194304
NUM_SEGMENTS = 64
_INFO = plsc.get_sparse_core_info()
NC = _INFO.num_cores
NS = _INFO.num_subcores
NW = NC * NS
PER_W = N // NW
CH = 8192
NCH = PER_W // CH
L = 16


def _spline_body(x_hbm, cp_hbm, dv_hbm, out_hbm,
                 cp_v, dv_v, ta_v, tb_v, tc_v, td_v, xb0, xb1, yb0, yb1,
                 sem_in0, sem_in1, sem_out0, sem_out1):
    wid = lax.axis_index("s") * NC + lax.axis_index("c")
    base = wid * PER_W

    xb = (xb0, xb1)
    yb = (yb0, yb1)
    sem_in = (sem_in0, sem_in1)
    sem_out = (sem_out0, sem_out1)

    pltpu.async_copy(x_hbm.at[pl.ds(base, CH)], xb[0], sem_in[0])
    pltpu.async_copy(x_hbm.at[pl.ds(base + CH, CH)], xb[1], sem_in[1])

    pltpu.sync_copy(cp_hbm, cp_v)
    pltpu.sync_copy(dv_hbm, dv_v)
    for j in range(NUM_SEGMENTS // L):
        off = j * L
        y0 = cp_v[pl.ds(off, L)]
        y1 = cp_v[pl.ds(off + 1, L)]
        d0 = dv_v[pl.ds(off, L)]
        d1 = dv_v[pl.ds(off + 1, L)]
        dy = y1 - y0
        ta_v[pl.ds(off, L)] = y0
        tb_v[pl.ds(off, L)] = d0 * 0.0625
        tc_v[pl.ds(off, L)] = (48.0 * dy - 2.0 * d0 - d1) * 0.0625
        td_v[pl.ds(off, L)] = (-32.0 * dy + d0 + d1) * 0.0625

    def _compute(xref, yref):
        @plsc.parallel_loop(0, CH, step=L, unroll=8)
        def _vec_step(off):
            xv = xref[pl.ds(off, L)]
            xs = xv * 16.0 + 32.0
            xc = jnp.minimum(jnp.maximum(xs, 0.0), float(NUM_SEGMENTS - 1))
            seg = xc.astype(jnp.int32)
            u = xs - seg.astype(jnp.float32)
            ca = plsc.load_gather(ta_v, [seg])
            cb = plsc.load_gather(tb_v, [seg])
            cc = plsc.load_gather(tc_v, [seg])
            cd = plsc.load_gather(td_v, [seg])
            yref[pl.ds(off, L)] = ca + u * (cb + u * (cc + u * cd))

    def _pair(g, carry):
        for b in range(2):
            off = base + (2 * g + b) * CH
            @pl.when(g > 0)
            def _():
                pltpu.make_async_copy(
                    yb[b], out_hbm.at[pl.ds(off, CH)], sem_out[b]).wait()

            pltpu.make_async_copy(
                x_hbm.at[pl.ds(off, CH)], xb[b], sem_in[b]).wait()
            _compute(xb[b], yb[b])
            pltpu.async_copy(
                yb[b], out_hbm.at[pl.ds(off, CH)], sem_out[b])

            @pl.when(g < NCH // 2 - 1)
            def _():
                pltpu.async_copy(
                    x_hbm.at[pl.ds(off + 2 * CH, CH)], xb[b], sem_in[b])
        return carry

    lax.fori_loop(0, NCH // 2, _pair, 0)

    pltpu.make_async_copy(yb[0], out_hbm.at[pl.ds(base, CH)], sem_out[0]).wait()
    pltpu.make_async_copy(yb[1], out_hbm.at[pl.ds(base, CH)], sem_out[1]).wait()


_spline_sc = pl.kernel(
    _spline_body,
    out_type=jax.ShapeDtypeStruct((N,), jnp.float32),
    mesh=plsc.VectorSubcoreMesh(core_axis_name="c", subcore_axis_name="s"),
    scratch_types=[
        pltpu.VMEM((NUM_SEGMENTS + 1,), jnp.float32),
        pltpu.VMEM((NUM_SEGMENTS + 1,), jnp.float32),
        pltpu.VMEM((NUM_SEGMENTS,), jnp.float32),
        pltpu.VMEM((NUM_SEGMENTS,), jnp.float32),
        pltpu.VMEM((NUM_SEGMENTS,), jnp.float32),
        pltpu.VMEM((NUM_SEGMENTS,), jnp.float32),
        pltpu.VMEM((CH,), jnp.float32),
        pltpu.VMEM((CH,), jnp.float32),
        pltpu.VMEM((CH,), jnp.float32),
        pltpu.VMEM((CH,), jnp.float32),
        pltpu.SemaphoreType.DMA,
        pltpu.SemaphoreType.DMA,
        pltpu.SemaphoreType.DMA,
        pltpu.SemaphoreType.DMA,
    ],
    compiler_params=pltpu.CompilerParams(needs_layout_passes=False),
)


@jax.jit
def kernel(x, control_points, derivatives):
    y = _spline_sc(x, control_points[:, 0], derivatives[:, 0])
    return y[:, None]

# --- scband reference (transcript-rebuilt; emitter-appended) ---
"""Pipeline reference for scband-cubic-spline-39247411150911 (READ-ONLY COPY).

The authoritative reference and input builder live on the scoring server;
editing this copy changes nothing except your own understanding.
"""

import jax, jax.numpy as jnp
import numpy as np

NUM_SEGMENTS = 64
N = 4194304


def _compute_coefficients(knots, control_points, derivatives):
    x0 = knots[:-1]
    x1 = knots[1:]
    h = x1 - x0
    y0 = control_points[:-1, 0]
    y1 = control_points[1:, 0]
    dy0 = derivatives[:-1, 0]
    dy1 = derivatives[1:, 0]
    a = y0
    b = dy0
    c = (3.0 * (y1 - y0) / h - 2.0 * dy0 - dy1) / h
    d = (2.0 * (y0 - y1) / h + dy0 + dy1) / (h ** 2)
    return jnp.stack([a, b, c, d], axis=-1)  # [num_segments, 4]


def setup_inputs(seed: int = 0) -> dict:
    key = jax.random.key(seed)
    k1, k2, k3 = jax.random.split(key, 3)
    x = jax.random.normal(k1, (N,), dtype=jnp.float32)
    control_points = jax.random.normal(k2, (NUM_SEGMENTS + 1, 1), dtype=jnp.float32) * 0.1
    derivatives = jax.random.normal(k3, (NUM_SEGMENTS + 1, 1), dtype=jnp.float32) * 0.1
    return {"x": x, "control_points": control_points, "derivatives": derivatives}


def reference(x, control_points, derivatives):
    knots = jnp.linspace(-2.0, 2.0, NUM_SEGMENTS + 1, dtype=jnp.float32)
    if x.ndim == 1:
        x = x[:, None]
    coeffs = _compute_coefficients(knots, control_points, derivatives)
    # find segment index for each sample: count of knots <= x, minus 1
    segment_idx = jnp.sum(x >= knots[None, :], axis=1) - 1
    segment_idx = jnp.clip(segment_idx, 0, NUM_SEGMENTS - 1)
    x0 = knots[segment_idx]              # gather [N]
    x_local = x - x0[:, None]            # [N, 1]
    x_powers = jnp.concatenate([
        jnp.ones_like(x_local), x_local, x_local ** 2, x_local ** 3
    ], axis=-1)                          # [N, 4]
    batch_coeffs = coeffs[segment_idx]   # gather [N, 4]
    y = jnp.sum(batch_coeffs * x_powers, axis=-1, keepdims=True)  # [N, 1]
    return y

if __name__ == "__main__":
    import jax
    _d = setup_inputs()
    print(jax.jit(kernel)(*tuple(_d.values())))

</pallas_src>

<mosaic_0001>
#map = affine_map<(d0, d1) -> (0)>
module attributes {stable_mosaic.version = 14 : i64} {
  func.func @_spline_body(%arg0: i32, %arg1: i32, %arg2: memref<4194304xf32, #tpu.memory_space<hbm>>, %arg3: memref<65xf32, #tpu.memory_space<hbm>>, %arg4: memref<65xf32, #tpu.memory_space<hbm>>, %arg5: memref<4194304xf32, #tpu.memory_space<hbm>>, %arg6: memref<65xf32, #tpu.memory_space<vmem>>, %arg7: memref<65xf32, #tpu.memory_space<vmem>>, %arg8: memref<64xf32, #tpu.memory_space<vmem>>, %arg9: memref<64xf32, #tpu.memory_space<vmem>>, %arg10: memref<64xf32, #tpu.memory_space<vmem>>, %arg11: memref<64xf32, #tpu.memory_space<vmem>>, %arg12: memref<8192xf32, #tpu.memory_space<vmem>>, %arg13: memref<8192xf32, #tpu.memory_space<vmem>>, %arg14: memref<8192xf32, #tpu.memory_space<vmem>>, %arg15: memref<8192xf32, #tpu.memory_space<vmem>>, %arg16: memref<!tpu.dma_semaphore, #tpu.memory_space<semaphore_mem>>, %arg17: memref<!tpu.dma_semaphore, #tpu.memory_space<semaphore_mem>>, %arg18: memref<!tpu.dma_semaphore, #tpu.memory_space<semaphore_mem>>, %arg19: memref<!tpu.dma_semaphore, #tpu.memory_space<semaphore_mem>>) attributes {dimension_semantics = [#tpu.dimension_semantics<core_parallel>, #tpu.dimension_semantics<subcore_parallel>], iteration_bounds = array<i64: 2, 16>, scalar_prefetch = 0 : i64, scratch_operands = 14 : i64, tpu.core_type = #tpu.core_type<sc_vector_subcore>, window_params = [{transform_indices = #map}, {transform_indices = #map}, {transform_indices = #map}, {transform_indices = #map}]} {
    %mul3A = arith.constant 2 : i32
    %mul3A_0 = arith.muli %arg1, %mul3A : i32
    %add3A = arith.addi %mul3A_0, %arg0 : i32
    %mul3A_1 = arith.constant 131072 : i32
    %mul3A_2 = arith.muli %add3A, %mul3A_1 : i32
    %dma_start3A = tpu.memref_slice %arg2[%mul3A_2] : memref<4194304xf32, #tpu.memory_space<hbm>> -> memref<8192xf32, #tpu.memory_space<hbm>>
    %dma_start3A_3 = tpu.memref_slice %arg2[%mul3A_2] : memref<4194304xf32, #tpu.memory_space<hbm>> -> memref<8192xf32, #tpu.memory_space<hbm>>
    tpu.enqueue_dma source(%dma_start3A_3 : memref<8192xf32, #tpu.memory_space<hbm>>) target(%arg12 : memref<8192xf32, #tpu.memory_space<vmem>>) target_semaphore(%arg16 : memref<!tpu.dma_semaphore, #tpu.memory_space<semaphore_mem>>)
    %add3A_4 = arith.constant 8192 : i32
    %add3A_5 = arith.addi %mul3A_2, %add3A_4 : i32
    %dma_start3A_6 = tpu.memref_slice %arg2[%add3A_5] : memref<4194304xf32, #tpu.memory_space<hbm>> -> memref<8192xf32, #tpu.memory_space<hbm>>
    %dma_start3A_7 = tpu.memref_slice %arg2[%add3A_5] : memref<4194304xf32, #tpu.memory_space<hbm>> -> memref<8192xf32, #tpu.memory_space<hbm>>
    tpu.enqueue_dma source(%dma_start3A_7 : memref<8192xf32, #tpu.memory_space<hbm>>) target(%arg13 : memref<8192xf32, #tpu.memory_space<vmem>>) target_semaphore(%arg17 : memref<!tpu.dma_semaphore, #tpu.memory_space<semaphore_mem>>)
    "tpu.region"() ({
      %run_scoped3A = tpu.sem_alloc : memref<!tpu.dma_semaphore, #tpu.memory_space<semaphore_mem>>
      tpu.enqueue_dma source(%arg3 : memref<65xf32, #tpu.memory_space<hbm>>) target(%arg6 : memref<65xf32, #tpu.memory_space<vmem>>) target_semaphore(%run_scoped3A : memref<!tpu.dma_semaphore, #tpu.memory_space<semaphore_mem>>)
      tpu.wait_dma2 semaphore(%run_scoped3A : memref<!tpu.dma_semaphore, #tpu.memory_space<semaphore_mem>>) src(%arg3 : memref<65xf32, #tpu.memory_space<hbm>>) dst(%arg6 : memref<65xf32, #tpu.memory_space<vmem>>)
      tpu.yield
    }) : () -> ()
    "tpu.region"() ({
      %run_scoped3A = tpu.sem_alloc : memref<!tpu.dma_semaphore, #tpu.memory_space<semaphore_mem>>
      tpu.enqueue_dma source(%arg4 : memref<65xf32, #tpu.memory_space<hbm>>) target(%arg7 : memref<65xf32, #tpu.memory_space<vmem>>) target_semaphore(%run_scoped3A : memref<!tpu.dma_semaphore, #tpu.memory_space<semaphore_mem>>)
      tpu.wait_dma2 semaphore(%run_scoped3A : memref<!tpu.dma_semaphore, #tpu.memory_space<semaphore_mem>>) src(%arg4 : memref<65xf32, #tpu.memory_space<hbm>>) dst(%arg7 : memref<65xf32, #tpu.memory_space<vmem>>)
      tpu.yield
    }) : () -> ()
    %get3A = arith.constant 0 : index
    %get3A_8 = tpu.vector_load %arg6[%get3A] {strides = array<i32>} : memref<65xf32, #tpu.memory_space<vmem>>, vector<16xf32>,
    %get3A_9 = arith.constant 1 : index
    %get3A_10 = tpu.vector_load %arg6[%get3A_9] {strides = array<i32>} : memref<65xf32, #tpu.memory_space<vmem>>, vector<16xf32>,
    %get3A_11 = arith.constant 0 : index
    %get3A_12 = tpu.vector_load %arg7[%get3A_11] {strides = array<i32>} : memref<65xf32, #tpu.memory_space<vmem>>, vector<16xf32>,
    %get3A_13 = arith.constant 1 : index
    %get3A_14 = tpu.vector_load %arg7[%get3A_13] {strides = array<i32>} : memref<65xf32, #tpu.memory_space<vmem>>, vector<16xf32>,
    %sub3A = arith.subf %get3A_10, %get3A_8 : vector<16xf32>
    %swap3A = arith.constant 0 : index
    %swap3A_15 = tpu.vector_load %arg8[%swap3A] {strides = array<i32>} : memref<64xf32, #tpu.memory_space<vmem>>, vector<16xf32>,
    tpu.vector_store %arg8[%swap3A], %get3A_8 {strides = array<i32>} : memref<64xf32, #tpu.memory_space<vmem>>, vector<16xf32>,
    %mul3A_16 = arith.constant 6.250000e-02 : f32
    %mul3A_17 = vector.broadcast %mul3A_16 : f32 to vector<16xf32>
    %mul3A_18 = arith.mulf %get3A_12, %mul3A_17 : vector<16xf32>
    %swap3A_19 = arith.constant 0 : index
    %swap3A_20 = tpu.vector_load %arg9[%swap3A_19] {strides = array<i32>} : memref<64xf32, #tpu.memory_space<vmem>>, vector<16xf32>,
    tpu.vector_store %arg9[%swap3A_19], %mul3A_18 {strides = array<i32>} : memref<64xf32, #tpu.memory_space<vmem>>, vector<16xf32>,
    %mul3A_21 = arith.constant 4.800000e+01 : f32
    %mul3A_22 = vector.broadcast %mul3A_21 : f32 to vector<16xf32>
    %mul3A_23 = arith.mulf %mul3A_22, %sub3A : vector<16xf32>
    %mul3A_24 = arith.constant 2.000000e+00 : f32
    %mul3A_25 = vector.broadcast %mul3A_24 : f32 to vector<16xf32>
    %mul3A_26 = arith.mulf %mul3A_25, %get3A_12 : vector<16xf32>
    %sub3A_27 = arith.subf %mul3A_23, %mul3A_26 : vector<16xf32>
    %sub3A_28 = arith.subf %sub3A_27, %get3A_14 : vector<16xf32>
    %mul3A_29 = arith.constant 6.250000e-02 : f32
    %mul3A_30 = vector.broadcast %mul3A_29 : f32 to vector<16xf32>
    %mul3A_31 = arith.mulf %sub3A_28, %mul3A_30 : vector<16xf32>
    %swap3A_32 = arith.constant 0 : index
    %swap3A_33 = tpu.vector_load %arg10[%swap3A_32] {strides = array<i32>} : memref<64xf32, #tpu.memory_space<vmem>>, vector<16xf32>,
    tpu.vector_store %arg10[%swap3A_32], %mul3A_31 {strides = array<i32>} : memref<64xf32, #tpu.memory_space<vmem>>, vector<16xf32>,
    %mul3A_34 = arith.constant -3.200000e+01 : f32
    %mul3A_35 = vector.broadcast %mul3A_34 : f32 to vector<16xf32>
    %mul3A_36 = arith.mulf %mul3A_35, %sub3A : vector<16xf32>
    %add3A_37 = arith.addf %mul3A_36, %get3A_12 : vector<16xf32>
    %add3A_38 = arith.addf %add3A_37, %get3A_14 : vector<16xf32>
    %mul3A_39 = arith.constant 6.250000e-02 : f32
    %mul3A_40 = vector.broadcast %mul3A_39 : f32 to vector<16xf32>
    %mul3A_41 = arith.mulf %add3A_38, %mul3A_40 : vector<16xf32>
    %swap3A_42 = arith.constant 0 : index
    %swap3A_43 = tpu.vector_load %arg11[%swap3A_42] {strides = array<i32>} : memref<64xf32, #tpu.memory_space<vmem>>, vector<16xf32>,
    tpu.vector_store %arg11[%swap3A_42], %mul3A_41 {strides = array<i32>} : memref<64xf32, #tpu.memory_space<vmem>>, vector<16xf32>,
    %get3A_44 = arith.constant 16 : index
    %get3A_45 = tpu.vector_load %arg6[%get3A_44] {strides = array<i32>} : memref<65xf32, #tpu.memory_space<vmem>>, vector<16xf32>,
    %get3A_46 = arith.constant 17 : index
    %get3A_47 = tpu.vector_load %arg6[%get3A_46] {strides = array<i32>} : memref<65xf32, #tpu.memory_space<vmem>>, vector<16xf32>,
    %get3A_48 = arith.constant 16 : index
    %get3A_49 = tpu.vector_load %arg7[%get3A_48] {strides = array<i32>} : memref<65xf32, #tpu.memory_space<vmem>>, vector<16xf32>,
    %get3A_50 = arith.constant 17 : index
    %get3A_51 = tpu.vector_load %arg7[%get3A_50] {strides = array<i32>} : memref<65xf32, #tpu.memory_space<vmem>>, vector<16xf32>,
    %sub3A_52 = arith.subf %get3A_47, %get3A_45 : vector<16xf32>
    %swap3A_53 = arith.constant 16 : index
    %swap3A_54 = tpu.vector_load %arg8[%swap3A_53] {strides = array<i32>} : memref<64xf32, #tpu.memory_space<vmem>>, vector<16xf32>,
    tpu.vector_store %arg8[%swap3A_53], %get3A_45 {strides = array<i32>} : memref<64xf32, #tpu.memory_space<vmem>>, vector<16xf32>,
    %mul3A_55 = arith.constant 6.250000e-02 : f32
    %mul3A_56 = vector.broadcast %mul3A_55 : f32 to vector<16xf32>
    %mul3A_57 = arith.mulf %get3A_49, %mul3A_56 : vector<16xf32>
    %swap3A_58 = arith.constant 16 : index
    %swap3A_59 = tpu.vector_load %arg9[%swap3A_58] {strides = array<i32>} : memref<64xf32, #tpu.memory_space<vmem>>, vector<16xf32>,
    tpu.vector_store %arg9[%swap3A_58], %mul3A_57 {strides = array<i32>} : memref<64xf32, #tpu.memory_space<vmem>>, vector<16xf32>,
    %mul3A_60 = arith.constant 4.800000e+01 : f32
    %mul3A_61 = vector.broadcast %mul3A_60 : f32 to vector<16xf32>
    %mul3A_62 = arith.mulf %mul3A_61, %sub3A_52 : vector<16xf32>
    %mul3A_63 = arith.constant 2.000000e+00 : f32
    %mul3A_64 = vector.broadcast %mul3A_63 : f32 to vector<16xf32>
    %mul3A_65 = arith.mulf %mul3A_64, %get3A_49 : vector<16xf32>
    %sub3A_66 = arith.subf %mul3A_62, %mul3A_65 : vector<16xf32>
    %sub3A_67 = arith.subf %sub3A_66, %get3A_51 : vector<16xf32>
    %mul3A_68 = arith.constant 6.250000e-02 : f32
    %mul3A_69 = vector.broadcast %mul3A_68 : f32 to vector<16xf32>
    %mul3A_70 = arith.mulf %sub3A_67, %mul3A_69 : vector<16xf32>
    %swap3A_71 = arith.constant 16 : index
    %swap3A_72 = tpu.vector_load %arg10[%swap3A_71] {strides = array<i32>} : memref<64xf32, #tpu.memory_space<vmem>>, vector<16xf32>,
    tpu.vector_store %arg10[%swap3A_71], %mul3A_70 {strides = array<i32>} : memref<64xf32, #tpu.memory_space<vmem>>, vector<16xf32>,
    %mul3A_73 = arith.constant -3.200000e+01 : f32
    %mul3A_74 = vector.broadcast %mul3A_73 : f32 to vector<16xf32>
    %mul3A_75 = arith.mulf %mul3A_74, %sub3A_52 : vector<16xf32>
    %add3A_76 = arith.addf %mul3A_75, %get3A_49 : vector<16xf32>
    %add3A_77 = arith.addf %add3A_76, %get3A_51 : vector<16xf32>
    %mul3A_78 = arith.constant 6.250000e-02 : f32
    %mul3A_79 = vector.broadcast %mul3A_78 : f32 to vector<16xf32>
    %mul3A_80 = arith.mulf %add3A_77, %mul3A_79 : vector<16xf32>
    %swap3A_81 = arith.constant 16 : index
    %swap3A_82 = tpu.vector_load %arg11[%swap3A_81] {strides = array<i32>} : memref<64xf32, #tpu.memory_space<vmem>>, vector<16xf32>,
    tpu.vector_store %arg11[%swap3A_81], %mul3A_80 {strides = array<i32>} : memref<64xf32, #tpu.memory_space<vmem>>, vector<16xf32>,
    %get3A_83 = arith.constant 32 : index
    %get3A_84 = tpu.vector_load %arg6[%get3A_83] {strides = array<i32>} : memref<65xf32, #tpu.memory_space<vmem>>, vector<16xf32>,
    %get3A_85 = arith.constant 33 : index
    %get3A_86 = tpu.vector_load %arg6[%get3A_85] {strides = array<i32>} : memref<65xf32, #tpu.memory_space<vmem>>, vector<16xf32>,
    %get3A_87 = arith.constant 32 : index
    %get3A_88 = tpu.vector_load %arg7[%get3A_87] {strides = array<i32>} : memref<65xf32, #tpu.memory_space<vmem>>, vector<16xf32>,
    %get3A_89 = arith.constant 33 : index
    %get3A_90 = tpu.vector_load %arg7[%get3A_89] {strides = array<i32>} : memref<65xf32, #tpu.memory_space<vmem>>, vector<16xf32>,
    %sub3A_91 = arith.subf %get3A_86, %get3A_84 : vector<16xf32>
    %swap3A_92 = arith.constant 32 : index
    %swap3A_93 = tpu.vector_load %arg8[%swap3A_92] {strides = array<i32>} : memref<64xf32, #tpu.memory_space<vmem>>, vector<16xf32>,
    tpu.vector_store %arg8[%swap3A_92], %get3A_84 {strides = array<i32>} : memref<64xf32, #tpu.memory_space<vmem>>, vector<16xf32>,
    %mul3A_94 = arith.constant 6.250000e-02 : f32
    %mul3A_95 = vector.broadcast %mul3A_94 : f32 to vector<16xf32>
    %mul3A_96 = arith.mulf %get3A_88, %mul3A_95 : vector<16xf32>
    %swap3A_97 = arith.constant 32 : index
    %swap3A_98 = tpu.vector_load %arg9[%swap3A_97] {strides = array<i32>} : memref<64xf32, #tpu.memory_space<vmem>>, vector<16xf32>,
    tpu.vector_store %arg9[%swap3A_97], %mul3A_96 {strides = array<i32>} : memref<64xf32, #tpu.memory_space<vmem>>, vector<16xf32>,
    %mul3A_99 = arith.constant 4.800000e+01 : f32
    %mul3A_100 = vector.broadcast %mul3A_99 : f32 to vector<16xf32>
    %mul3A_101 = arith.mulf %mul3A_100, %sub3A_91 : vector<16xf32>
    %mul3A_102 = arith.constant 2.000000e+00 : f32
    %mul3A_103 = vector.broadcast %mul3A_102 : f32 to vector<16xf32>
    %mul3A_104 = arith.mulf %mul3A_103, %get3A_88 : vector<16xf32>
    %sub3A_105 = arith.subf %mul3A_101, %mul3A_104 : vector<16xf32>
    %sub3A_106 = arith.subf %sub3A_105, %get3A_90 : vector<16xf32>
    %mul3A_107 = arith.constant 6.250000e-02 : f32
    %mul3A_108 = vector.broadcast %mul3A_107 : f32 to vector<16xf32>
    %mul3A_109 = arith.mulf %sub3A_106, %mul3A_108 : vector<16xf32>
    %swap3A_110 = arith.constant 32 : index
    %swap3A_111 = tpu.vector_load %arg10[%swap3A_110] {strides = array<i32>} : memref<64xf32, #tpu.memory_space<vmem>>, vector<16xf32>,
    tpu.vector_store %arg10[%swap3A_110], %mul3A_109 {strides = array<i32>} : memref<64xf32, #tpu.memory_space<vmem>>, vector<16xf32>,
    %mul3A_112 = arith.constant -3.200000e+01 : f32
    %mul3A_113 = vector.broadcast %mul3A_112 : f32 to vector<16xf32>
    %mul3A_114 = arith.mulf %mul3A_113, %sub3A_91 : vector<16xf32>
    %add3A_115 = arith.addf %mul3A_114, %get3A_88 : vector<16xf32>
    %add3A_116 = arith.addf %add3A_115, %get3A_90 : vector<16xf32>
    %mul3A_117 = arith.constant 6.250000e-02 : f32
    %mul3A_118 = vector.broadcast %mul3A_117 : f32 to vector<16xf32>
    %mul3A_119 = arith.mulf %add3A_116, %mul3A_118 : vector<16xf32>
    %swap3A_120 = arith.constant 32 : index
    %swap3A_121 = tpu.vector_load %arg11[%swap3A_120] {strides = array<i32>} : memref<64xf32, #tpu.memory_space<vmem>>, vector<16xf32>,
    tpu.vector_store %arg11[%swap3A_120], %mul3A_119 {strides = array<i32>} : memref<64xf32, #tpu.memory_space<vmem>>, vector<16xf32>,
    %get3A_122 = arith.constant 48 : index
    %get3A_123 = tpu.vector_load %arg6[%get3A_122] {strides = array<i32>} : memref<65xf32, #tpu.memory_space<vmem>>, vector<16xf32>,
    %get3A_124 = arith.constant 49 : index
    %get3A_125 = tpu.vector_load %arg6[%get3A_124] {strides = array<i32>} : memref<65xf32, #tpu.memory_space<vmem>>, vector<16xf32>,
    %get3A_126 = arith.constant 48 : index
    %get3A_127 = tpu.vector_load %arg7[%get3A_126] {strides = array<i32>} : memref<65xf32, #tpu.memory_space<vmem>>, vector<16xf32>,
    %get3A_128 = arith.constant 49 : index
    %get3A_129 = tpu.vector_load %arg7[%get3A_128] {strides = array<i32>} : memref<65xf32, #tpu.memory_space<vmem>>, vector<16xf32>,
    %sub3A_130 = arith.subf %get3A_125, %get3A_123 : vector<16xf32>
    %swap3A_131 = arith.constant 48 : index
    %swap3A_132 = tpu.vector_load %arg8[%swap3A_131] {strides = array<i32>} : memref<64xf32, #tpu.memory_space<vmem>>, vector<16xf32>,
    tpu.vector_store %arg8[%swap3A_131], %get3A_123 {strides = array<i32>} : memref<64xf32, #tpu.memory_space<vmem>>, vector<16xf32>,
    %mul3A_133 = arith.constant 6.250000e-02 : f32
    %mul3A_134 = vector.broadcast %mul3A_133 : f32 to vector<16xf32>
    %mul3A_135 = arith.mulf %get3A_127, %mul3A_134 : vector<16xf32>
    %swap3A_136 = arith.constant 48 : index
    %swap3A_137 = tpu.vector_load %arg9[%swap3A_136] {strides = array<i32>} : memref<64xf32, #tpu.memory_space<vmem>>, vector<16xf32>,
    tpu.vector_store %arg9[%swap3A_136], %mul3A_135 {strides = array<i32>} : memref<64xf32, #tpu.memory_space<vmem>>, vector<16xf32>,
    %mul3A_138 = arith.constant 4.800000e+01 : f32
    %mul3A_139 = vector.broadcast %mul3A_138 : f32 to vector<16xf32>
    %mul3A_140 = arith.mulf %mul3A_139, %sub3A_130 : vector<16xf32>
    %mul3A_141 = arith.constant 2.000000e+00 : f32
    %mul3A_142 = vector.broadcast %mul3A_141 : f32 to vector<16xf32>
    %mul3A_143 = arith.mulf %mul3A_142, %get3A_127 : vector<16xf32>
    %sub3A_144 = arith.subf %mul3A_140, %mul3A_143 : vector<16xf32>
    %sub3A_145 = arith.subf %sub3A_144, %get3A_129 : vector<16xf32>
    %mul3A_146 = arith.constant 6.250000e-02 : f32
    %mul3A_147 = vector.broadcast %mul3A_146 : f32 to vector<16xf32>
    %mul3A_148 = arith.mulf %sub3A_145, %mul3A_147 : vector<16xf32>
    %swap3A_149 = arith.constant 48 : index
    %swap3A_150 = tpu.vector_load %arg10[%swap3A_149] {strides = array<i32>} : memref<64xf32, #tpu.memory_space<vmem>>, vector<16xf32>,
    tpu.vector_store %arg10[%swap3A_149], %mul3A_148 {strides = array<i32>} : memref<64xf32, #tpu.memory_space<vmem>>, vector<16xf32>,
    %mul3A_151 = arith.constant -3.200000e+01 : f32
    %mul3A_152 = vector.broadcast %mul3A_151 : f32 to vector<16xf32>
    %mul3A_153 = arith.mulf %mul3A_152, %sub3A_130 : vector<16xf32>
    %add3A_154 = arith.addf %mul3A_153, %get3A_127 : vector<16xf32>
    %add3A_155 = arith.addf %add3A_154, %get3A_129 : vector<16xf32>
    %mul3A_156 = arith.constant 6.250000e-02 : f32
    %mul3A_157 = vector.broadcast %mul3A_156 : f32 to vector<16xf32>
    %mul3A_158 = arith.mulf %add3A_155, %mul3A_157 : vector<16xf32>
    %swap3A_159 = arith.constant 48 : index
    %swap3A_160 = tpu.vector_load %arg11[%swap3A_159] {strides = array<i32>} : memref<64xf32, #tpu.memory_space<vmem>>, vector<16xf32>,
    tpu.vector_store %arg11[%swap3A_159], %mul3A_158 {strides = array<i32>} : memref<64xf32, #tpu.memory_space<vmem>>, vector<16xf32>,
    %scan3A = arith.constant 0 : i32
    %scan3A_161 = arith.constant 0 : i32
    %scan3A_162 = arith.constant 8 : i32
    %scan3A_163 = arith.addi %scan3A_161, %scan3A_162 : i32
    %scan3A_164 = arith.constant 1 : i32
    scf.for %scan3A_169 = %scan3A_161 to %scan3A_163 step %scan3A_164  : i32 {
      %mul3A_170 = arith.constant 2 : i32
      %mul3A_171 = arith.muli %mul3A_170, %scan3A_169 : i32
      %add3A_172 = arith.constant 0 : i32
      %add3A_173 = arith.addi %mul3A_171, %add3A_172 : i32
      %mul3A_174 = arith.constant 8192 : i32
      %mul3A_175 = arith.muli %add3A_173, %mul3A_174 : i32
      %add3A_176 = arith.addi %mul3A_2, %mul3A_175 : i32
      %gt3A = arith.constant 0 : i32
      %gt3A_177 = arith.cmpi sgt, %scan3A_169, %gt3A : i32
      %convert_element_type3A = arith.extui %gt3A_177 : i1 to i32
      %cond3A = arith.constant 0 : i32
      %cond3A_178 = arith.cmpi ne, %convert_element_type3A, %cond3A : i32
      scf.if %cond3A_178 {
        %dma_wait3A_213 = tpu.memref_slice %arg5[%add3A_176] : memref<4194304xf32, #tpu.memory_space<hbm>> -> memref<8192xf32, #tpu.memory_space<hbm>>
        %dma_wait3A_214 = tpu.memref_slice %arg5[%add3A_176] : memref<4194304xf32, #tpu.memory_space<hbm>> -> memref<8192xf32, #tpu.memory_space<hbm>>
        tpu.wait_dma2 semaphore(%arg18 : memref<!tpu.dma_semaphore, #tpu.memory_space<semaphore_mem>>) src(%arg14 : memref<8192xf32, #tpu.memory_space<vmem>>) dst(%dma_wait3A_214 : memref<8192xf32, #tpu.memory_space<hbm>>)
      } else {
      }
      %dma_wait3A_179 = tpu.memref_slice %arg2[%add3A_176] : memref<4194304xf32, #tpu.memory_space<hbm>> -> memref<8192xf32, #tpu.memory_space<hbm>>
      %dma_wait3A_180 = tpu.memref_slice %arg2[%add3A_176] : memref<4194304xf32, #tpu.memory_space<hbm>> -> memref<8192xf32, #tpu.memory_space<hbm>>
      tpu.wait_dma2 semaphore(%arg16 : memref<!tpu.dma_semaphore, #tpu.memory_space<semaphore_mem>>) src(%dma_wait3A_180 : memref<8192xf32, #tpu.memory_space<hbm>>) dst(%arg12 : memref<8192xf32, #tpu.memory_space<vmem>>)
      %parallel_loop3A = arith.constant 0 : i32
      %parallel_loop3A_181 = arith.constant 8192 : i32
      %parallel_loop3A_182 = arith.constant 16 : i32
      scf.for %parallel_loop3A_213 = %parallel_loop3A to %parallel_loop3A_181 step %parallel_loop3A_182  : i32 {
        %parallel_loop3A_214 = arith.index_cast %parallel_loop3A_213 : i32 to index
        %parallel_loop3A_215 = tpu.vector_load %arg12[%parallel_loop3A_214] {strides = array<i32>} : memref<8192xf32, #tpu.memory_space<vmem>>, vector<16xf32>,
        %parallel_loop3A_216 = arith.constant 1.600000e+01 : f32
        %parallel_loop3A_217 = vector.broadcast %parallel_loop3A_216 : f32 to vector<16xf32>
        %parallel_loop3A_218 = arith.mulf %parallel_loop3A_215, %parallel_loop3A_217 : vector<16xf32>
        %parallel_loop3A_219 = arith.constant 3.200000e+01 : f32
        %parallel_loop3A_220 = vector.broadcast %parallel_loop3A_219 : f32 to vector<16xf32>
        %parallel_loop3A_221 = arith.addf %parallel_loop3A_218, %parallel_loop3A_220 : vector<16xf32>
        %parallel_loop3A_222 = arith.constant 0.000000e+00 : f32
        %parallel_loop3A_223 = vector.broadcast %parallel_loop3A_222 : f32 to vector<16xf32>
        %parallel_loop3A_224 = arith.maximumf %parallel_loop3A_221, %parallel_loop3A_223 : vector<16xf32>
        %parallel_loop3A_225 = arith.constant 6.300000e+01 : f32
        %parallel_loop3A_226 = vector.broadcast %parallel_loop3A_225 : f32 to vector<16xf32>
        %parallel_loop3A_227 = arith.minimumf %parallel_loop3A_224, %parallel_loop3A_226 : vector<16xf32>
        %parallel_loop3A_228 = arith.fptosi %parallel_loop3A_227 : vector<16xf32> to vector<16xi32>
        %parallel_loop3A_229 = arith.sitofp %parallel_loop3A_228 : vector<16xi32> to vector<16xf32>
        %parallel_loop3A_230 = arith.subf %parallel_loop3A_221, %parallel_loop3A_229 : vector<16xf32>
        %parallel_loop3A_231 = tpu.vector_load_idx %arg8[%parallel_loop3A_228] : memref<64xf32, #tpu.memory_space<vmem>>[vector<16xi32>], vector<16xf32>,
        %parallel_loop3A_232 = tpu.vector_load_idx %arg9[%parallel_loop3A_228] : memref<64xf32, #tpu.memory_space<vmem>>[vector<16xi32>], vector<16xf32>,
        %parallel_loop3A_233 = tpu.vector_load_idx %arg10[%parallel_loop3A_228] : memref<64xf32, #tpu.memory_space<vmem>>[vector<16xi32>], vector<16xf32>,
        %parallel_loop3A_234 = tpu.vector_load_idx %arg11[%parallel_loop3A_228] : memref<64xf32, #tpu.memory_space<vmem>>[vector<16xi32>], vector<16xf32>,
        %parallel_loop3A_235 = arith.mulf %parallel_loop3A_230, %parallel_loop3A_234 : vector<16xf32>
        %parallel_loop3A_236 = arith.addf %parallel_loop3A_233, %parallel_loop3A_235 : vector<16xf32>
        %parallel_loop3A_237 = arith.mulf %parallel_loop3A_230, %parallel_loop3A_236 : vector<16xf32>
        %parallel_loop3A_238 = arith.addf %parallel_loop3A_232, %parallel_loop3A_237 : vector<16xf32>
        %parallel_loop3A_239 = arith.mulf %parallel_loop3A_230, %parallel_loop3A_238 : vector<16xf32>
        %parallel_loop3A_240 = arith.addf %parallel_loop3A_231, %parallel_loop3A_239 : vector<16xf32>
        %parallel_loop3A_241 = arith.index_cast %parallel_loop3A_213 : i32 to index
        %parallel_loop3A_242 = tpu.vector_load %arg14[%parallel_loop3A_241] {strides = array<i32>} : memref<8192xf32, #tpu.memory_space<vmem>>, vector<16xf32>,
        tpu.vector_store %arg14[%parallel_loop3A_241], %parallel_loop3A_240 {strides = array<i32>} : memref<8192xf32, #tpu.memory_space<vmem>>, vector<16xf32>,
      } {sc.loop_unroll_factor = 8 : i64, sc.parallel_access}
      %dma_start3A_183 = tpu.memref_slice %arg5[%add3A_176] : memref<4194304xf32, #tpu.memory_space<hbm>> -> memref<8192xf32, #tpu.memory_space<hbm>>
      %dma_start3A_184 = tpu.memref_slice %arg5[%add3A_176] : memref<4194304xf32, #tpu.memory_space<hbm>> -> memref<8192xf32, #tpu.memory_space<hbm>>
      tpu.enqueue_dma source(%arg14 : memref<8192xf32, #tpu.memory_space<vmem>>) target(%dma_start3A_184 : memref<8192xf32, #tpu.memory_space<hbm>>) target_semaphore(%arg18 : memref<!tpu.dma_semaphore, #tpu.memory_space<semaphore_mem>>)
      %lt3A = arith.constant 7 : i32
      %lt3A_185 = arith.cmpi slt, %scan3A_169, %lt3A : i32
      %convert_element_type3A_186 = arith.extui %lt3A_185 : i1 to i32
      %cond3A_187 = arith.constant 0 : i32
      %cond3A_188 = arith.cmpi ne, %convert_element_type3A_186, %cond3A_187 : i32
      scf.if %cond3A_188 {
        %add3A_213 = arith.constant 16384 : i32
        %add3A_214 = arith.addi %add3A_176, %add3A_213 : i32
        %dma_start3A_215 = tpu.memref_slice %arg2[%add3A_214] : memref<4194304xf32, #tpu.memory_space<hbm>> -> memref<8192xf32, #tpu.memory_space<hbm>>
        %dma_start3A_216 = tpu.memref_slice %arg2[%add3A_214] : memref<4194304xf32, #tpu.memory_space<hbm>> -> memref<8192xf32, #tpu.memory_space<hbm>>
        tpu.enqueue_dma source(%dma_start3A_216 : memref<8192xf32, #tpu.memory_space<hbm>>) target(%arg12 : memref<8192xf32, #tpu.memory_space<vmem>>) target_semaphore(%arg16 : memref<!tpu.dma_semaphore, #tpu.memory_space<semaphore_mem>>)
      } else {
      }
      %mul3A_189 = arith.constant 2 : i32
      %mul3A_190 = arith.muli %mul3A_189, %scan3A_169 : i32
      %add3A_191 = arith.constant 1 : i32
      %add3A_192 = arith.addi %mul3A_190, %add3A_191 : i32
      %mul3A_193 = arith.constant 8192 : i32
      %mul3A_194 = arith.muli %add3A_192, %mul3A_193 : i32
      %add3A_195 = arith.addi %mul3A_2, %mul3A_194 : i32
      %gt3A_196 = arith.constant 0 : i32
      %gt3A_197 = arith.cmpi sgt, %scan3A_169, %gt3A_196 : i32
      %convert_element_type3A_198 = arith.extui %gt3A_197 : i1 to i32
      %cond3A_199 = arith.constant 0 : i32
      %cond3A_200 = arith.cmpi ne, %convert_element_type3A_198, %cond3A_199 : i32
      scf.if %cond3A_200 {
        %dma_wait3A_213 = tpu.memref_slice %arg5[%add3A_195] : memref<4194304xf32, #tpu.memory_space<hbm>> -> memref<8192xf32, #tpu.memory_space<hbm>>
        %dma_wait3A_214 = tpu.memref_slice %arg5[%add3A_195] : memref<4194304xf32, #tpu.memory_space<hbm>> -> memref<8192xf32, #tpu.memory_space<hbm>>
        tpu.wait_dma2 semaphore(%arg19 : memref<!tpu.dma_semaphore, #tpu.memory_space<semaphore_mem>>) src(%arg15 : memref<8192xf32, #tpu.memory_space<vmem>>) dst(%dma_wait3A_214 : memref<8192xf32, #tpu.memory_space<hbm>>)
      } else {
      }
      %dma_wait3A_201 = tpu.memref_slice %arg2[%add3A_195] : memref<4194304xf32, #tpu.memory_space<hbm>> -> memref<8192xf32, #tpu.memory_space<hbm>>
      %dma_wait3A_202 = tpu.memref_slice %arg2[%add3A_195] : memref<4194304xf32, #tpu.memory_space<hbm>> -> memref<8192xf32, #tpu.memory_space<hbm>>
      tpu.wait_dma2 semaphore(%arg17 : memref<!tpu.dma_semaphore, #tpu.memory_space<semaphore_mem>>) src(%dma_wait3A_202 : memref<8192xf32, #tpu.memory_space<hbm>>) dst(%arg13 : memref<8192xf32, #tpu.memory_space<vmem>>)
      %parallel_loop3A_203 = arith.constant 0 : i32
      %parallel_loop3A_204 = arith.constant 8192 : i32
      %parallel_loop3A_205 = arith.constant 16 : i32
      scf.for %parallel_loop3A_213 = %parallel_loop3A_203 to %parallel_loop3A_204 step %parallel_loop3A_205  : i32 {
        %parallel_loop3A_214 = arith.index_cast %parallel_loop3A_213 : i32 to index
        %parallel_loop3A_215 = tpu.vector_load %arg13[%parallel_loop3A_214] {strides = array<i32>} : memref<8192xf32, #tpu.memory_space<vmem>>, vector<16xf32>,
        %parallel_loop3A_216 = arith.constant 1.600000e+01 : f32
        %parallel_loop3A_217 = vector.broadcast %parallel_loop3A_216 : f32 to vector<16xf32>
        %parallel_loop3A_218 = arith.mulf %parallel_loop3A_215, %parallel_loop3A_217 : vector<16xf32>
        %parallel_loop3A_219 = arith.constant 3.200000e+01 : f32
        %parallel_loop3A_220 = vector.broadcast %parallel_loop3A_219 : f32 to vector<16xf32>
        %parallel_loop3A_221 = arith.addf %parallel_loop3A_218, %parallel_loop3A_220 : vector<16xf32>
        %parallel_loop3A_222 = arith.constant 0.000000e+00 : f32
        %parallel_loop3A_223 = vector.broadcast %parallel_loop3A_222 : f32 to vector<16xf32>
        %parallel_loop3A_224 = arith.maximumf %parallel_loop3A_221, %parallel_loop3A_223 : vector<16xf32>
        %parallel_loop3A_225 = arith.constant 6.300000e+01 : f32
        %parallel_loop3A_226 = vector.broadcast %parallel_loop3A_225 : f32 to vector<16xf32>
        %parallel_loop3A_227 = arith.minimumf %parallel_loop3A_224, %parallel_loop3A_226 : vector<16xf32>
        %parallel_loop3A_228 = arith.fptosi %parallel_loop3A_227 : vector<16xf32> to vector<16xi32>
        %parallel_loop3A_229 = arith.sitofp %parallel_loop3A_228 : vector<16xi32> to vector<16xf32>
        %parallel_loop3A_230 = arith.subf %parallel_loop3A_221, %parallel_loop3A_229 : vector<16xf32>
        %parallel_loop3A_231 = tpu.vector_load_idx %arg8[%parallel_loop3A_228] : memref<64xf32, #tpu.memory_space<vmem>>[vector<16xi32>], vector<16xf32>,
        %parallel_loop3A_232 = tpu.vector_load_idx %arg9[%parallel_loop3A_228] : memref<64xf32, #tpu.memory_space<vmem>>[vector<16xi32>], vector<16xf32>,
        %parallel_loop3A_233 = tpu.vector_load_idx %arg10[%parallel_loop3A_228] : memref<64xf32, #tpu.memory_space<vmem>>[vector<16xi32>], vector<16xf32>,
        %parallel_loop3A_234 = tpu.vector_load_idx %arg11[%parallel_loop3A_228] : memref<64xf32, #tpu.memory_space<vmem>>[vector<16xi32>], vector<16xf32>,
        %parallel_loop3A_235 = arith.mulf %parallel_loop3A_230, %parallel_loop3A_234 : vector<16xf32>
        %parallel_loop3A_236 = arith.addf %parallel_loop3A_233, %parallel_loop3A_235 : vector<16xf32>
        %parallel_loop3A_237 = arith.mulf %parallel_loop3A_230, %parallel_loop3A_236 : vector<16xf32>
        %parallel_loop3A_238 = arith.addf %parallel_loop3A_232, %parallel_loop3A_237 : vector<16xf32>
        %parallel_loop3A_239 = arith.mulf %parallel_loop3A_230, %parallel_loop3A_238 : vector<16xf32>
        %parallel_loop3A_240 = arith.addf %parallel_loop3A_231, %parallel_loop3A_239 : vector<16xf32>
        %parallel_loop3A_241 = arith.index_cast %parallel_loop3A_213 : i32 to index
        %parallel_loop3A_242 = tpu.vector_load %arg15[%parallel_loop3A_241] {strides = array<i32>} : memref<8192xf32, #tpu.memory_space<vmem>>, vector<16xf32>,
        tpu.vector_store %arg15[%parallel_loop3A_241], %parallel_loop3A_240 {strides = array<i32>} : memref<8192xf32, #tpu.memory_space<vmem>>, vector<16xf32>,
      } {sc.loop_unroll_factor = 8 : i64, sc.parallel_access}
      %dma_start3A_206 = tpu.memref_slice %arg5[%add3A_195] : memref<4194304xf32, #tpu.memory_space<hbm>> -> memref<8192xf32, #tpu.memory_space<hbm>>
      %dma_start3A_207 = tpu.memref_slice %arg5[%add3A_195] : memref<4194304xf32, #tpu.memory_space<hbm>> -> memref<8192xf32, #tpu.memory_space<hbm>>
      tpu.enqueue_dma source(%arg15 : memref<8192xf32, #tpu.memory_space<vmem>>) target(%dma_start3A_207 : memref<8192xf32, #tpu.memory_space<hbm>>) target_semaphore(%arg19 : memref<!tpu.dma_semaphore, #tpu.memory_space<semaphore_mem>>)
      %lt3A_208 = arith.constant 7 : i32
      %lt3A_209 = arith.cmpi slt, %scan3A_169, %lt3A_208 : i32
      %convert_element_type3A_210 = arith.extui %lt3A_209 : i1 to i32
      %cond3A_211 = arith.constant 0 : i32
      %cond3A_212 = arith.cmpi ne, %convert_element_type3A_210, %cond3A_211 : i32
      scf.if %cond3A_212 {
        %add3A_213 = arith.constant 16384 : i32
        %add3A_214 = arith.addi %add3A_195, %add3A_213 : i32
        %dma_start3A_215 = tpu.memref_slice %arg2[%add3A_214] : memref<4194304xf32, #tpu.memory_space<hbm>> -> memref<8192xf32, #tpu.memory_space<hbm>>
        %dma_start3A_216 = tpu.memref_slice %arg2[%add3A_214] : memref<4194304xf32, #tpu.memory_space<hbm>> -> memref<8192xf32, #tpu.memory_space<hbm>>
        tpu.enqueue_dma source(%dma_start3A_216 : memref<8192xf32, #tpu.memory_space<hbm>>) target(%arg13 : memref<8192xf32, #tpu.memory_space<vmem>>) target_semaphore(%arg17 : memref<!tpu.dma_semaphore, #tpu.memory_space<semaphore_mem>>)
      } else {
      }
    }
    %scan3A_165 = arith.constant 8 : i32
    %dma_wait3A = tpu.memref_slice %arg5[%mul3A_2] : memref<4194304xf32, #tpu.memory_space<hbm>> -> memref<8192xf32, #tpu.memory_space<hbm>>
    %dma_wait3A_166 = tpu.memref_slice %arg5[%mul3A_2] : memref<4194304xf32, #tpu.memory_space<hbm>> -> memref<8192xf32, #tpu.memory_space<hbm>>
    tpu.wait_dma2 semaphore(%arg18 : memref<!tpu.dma_semaphore, #tpu.memory_space<semaphore_mem>>) src(%arg14 : memref<8192xf32, #tpu.memory_space<vmem>>) dst(%dma_wait3A_166 : memref<8192xf32, #tpu.memory_space<hbm>>)
    %dma_wait3A_167 = tpu.memref_slice %arg5[%mul3A_2] : memref<4194304xf32, #tpu.memory_space<hbm>> -> memref<8192xf32, #tpu.memory_space<hbm>>
    %dma_wait3A_168 = tpu.memref_slice %arg5[%mul3A_2] : memref<4194304xf32, #tpu.memory_space<hbm>> -> memref<8192xf32, #tpu.memory_space<hbm>>
    tpu.wait_dma2 semaphore(%arg19 : memref<!tpu.dma_semaphore, #tpu.memory_space<semaphore_mem>>) src(%arg15 : memref<8192xf32, #tpu.memory_space<vmem>>) dst(%dma_wait3A_168 : memref<8192xf32, #tpu.memory_space<hbm>>)
    return
  }
}

</mosaic_0001>

<sc_bundles>
// kernel: kernel.3.cloned.1.call-start
scs
__scs_entry_jumppad:
0x0: {  	(pc) =	sbr.rel $0x88, $3  }
0x1: {  	(tag) =	ssettag $0x0;
	lr =	simm.s32 $0x1  }
0x2: {  	[smem:$0x3F9E] =	sst lr;
	_ =	strace $0xD0000000  }
0x3: {  	_ = 	snop  }
0x4: {  	_ = 	snop  }
0x5: {  	_ = 	snop  }
0x6: {  	_ = 	snop  }
0x7: {  	_ = 	snop  }
__scs_overlays_trampoline_lowered:
0x8: {  	[smem:$0x3FAD] =	sst s0  }
0x9: {  	[smem:$0x3FAE] =	sst s1  }
0xa: {  	[smem:$0x3FAF] =	sst s2  }
0xb: {  	[smem:$0x3FB0] =	sst s3  }
0xc: {  	[smem:$0x3FB1] =	sst s4  }
0xd: {  	[smem:$0x3FB2] =	sst s5  }
0xe: {  	[smem:$0x3FB3] =	sst s6  }
0xf: {  	[smem:$0x3FB4] =	sst s7  }
0x10: {  	[smem:$0x3FB5] =	sst s8  }
0x11: {  	[smem:$0x3FB6] =	sst s9;
	s0 =	simm.s32 @!p0 $0x0  }
0x12: {  	s1 =	sld [smem:$0x3F9C];
	s0 =	simm.s32 @p0 $0x1  }
0x13: {  	[smem:$0x3FB7] =	sst s0;
	s0 =	simm.s32 @!p1 $0x0  }
0x14: {  	s2 =	sld [smem:$0x3F9B];
	s0 =	simm.s32 @p1 $0x1  }
0x15: {  	[smem:$0x3FB8] =	sst s0;
	s0 =	simm.s32 @!p2 $0x0  }
0x16: {  	s3 =	sld [smem:$0x3FDB];
	s0 =	simm.s32 @p2 $0x1  }
0x17: {  	s4 =	simm.s32 $0x1BF5;
	[smem:$0x3FBA] =	sst s0  }
0x18: {  	s0 =	sld [smem:$0x3F9D];
	_ =	swait.ge [sflag:s4], $0x0  }
0x19: {  	s7 =	sld [smem:$0x3F9E]  }
0x1a: {  	s8 =	sadd.s32 $0xFFFFE003, lr  }
0x1b: {  	s9 =	sadd.s32 $0xFFFFFEF7, lr;
	s5 =	simm.s32 $0xFFFFFFFF;
	p2 =	slt.u32 s8, $0xFFFFF086  }
0x1c: {  	p1 =	slt.u32 s9, $0xF7A;
	s5 =	simm.s32 @!p2 $0x0  }
0x1d: {  	s5 =	simm.s32 @p1 $0x1;
	p0 =	seq.s32 s7, s2  }
0x1e: {  	s7 =	smul.u32 @!p0 $0xF7A, s2;
	p2 =	seq.s32 @!p0 s5, $0x0  }
0x1f: {  	s9 =	smul.u32 $0xF7A, s1;
	s8 =	simm.s32 @!p0 $0x1BF5;
	p2 =	por !p2, p0  }
0x20: {  	[sflag:s8] =	ssyncset.s32 @!p0 $0xFFFFF086;
	s6 =	sadd.s32 @!p0 s3, s7;
	s7 =	simm.s32 @!p0 $0x108  }
0x21: {  	s3 =	sadd.s32 s3, s9;
	s6 =	sadd.s32 @!p0 $0x88, s6;
	s7 =	simm.s32 @p2 $0x1082  }
0x22: {  	[simem:s7], [sflag:s8] =	dma.local @!p0 [hbm:s6], $0xF7A  }
0x23: {  	s9 =	sor.u32 $0xD0000000, s2;
	s6 =	simm.s32 $0x108;
	_ =	swait.ge @!p0 [sflag:s8], $0x0  }
0x24: {  	s3 =	sadd.s32 $0x88, s3;
	s6 =	simm.s32 @!p1 $0x1082;
	[sflag:s4] =	ssyncset.s32 $0xFFFFF086  }
0x25: {  	[simem:s6], [sflag:s4] =	dma.local [hbm:s3], $0xF7A  }
0x26: {  	[smem:$0x3F9E] =	sst s1;
	(tag) =	ssettag s2;
	_ =	strace s9  }
0x27: {  	s1 =	sld [smem:$0x3FAE]  }
0x28: {  	s2 =	sld [smem:$0x3FAF]  }
0x29: {  	s4 =	sld [smem:$0x3FB1]  }
0x2a: {  	p0 =	seq.s32 s5, $0x0;
	s5 =	sld [smem:$0x3FB2]  }
0x2b: {  	s6 =	sld [smem:$0x3FB3]  }
0x2c: {  	s7 =	sld [smem:$0x3FB4]  }
0x2d: {  	s3 =	simm.s32 $0x108;
	s8 =	sld [smem:$0x3FB5]  }
0x2e: {  	s3 =	simm.s32 @!p0 $0x1082;
	s9 =	sld [smem:$0x3FB6]  }
0x2f: {  	lr =	sadd.s32 s0, s3;
	s0 =	sld [smem:$0x3FAD]  }
0x30: {  	s3 =	sld [smem:$0x3FB0]  }
0x31: {  	[smem:$0x3FB9] =	sst s10  }
0x32: {  	s10 =	sld [smem:$0x3FB7];
	_ =	sdelay $0x3  }
0x33: {  	p0 =	seq.s32 s10, $0x1;
	s10 =	sld [smem:$0x3FB9];
	_ =	sdelay $0x3  }
0x34: {  	[smem:$0x3FB9] =	sst s10  }
0x35: {  	s10 =	sld [smem:$0x3FB8];
	_ =	sdelay $0x3  }
0x36: {  	p1 =	seq.s32 s10, $0x1;
	s10 =	sld [smem:$0x3FB9];
	_ =	sdelay $0x3  }
0x37: {  	[smem:$0x3FB9] =	sst s10  }
0x38: {  	s10 =	sld [smem:$0x3FBA]  }
0x39: {  	_ = 	snop;
	(pc) =	sbr.ind lr, $3  }
0x3a: {  	_ = 	snop  }
0x3b: {  	_ = 	snop  }
0x3c: {  	p2 =	seq.s32 s10, $0x1;
	s10 =	sld [smem:$0x3FB9]  }
0x3d: {  	_ =	shalt  }
0x3e: {  	_ =	shalt  }
0x3f: {  	_ =	shalt  }
0x40: {  	_ =	shalt  }
0x41: {  	_ =	shalt  }
0x42: {  	_ =	shalt  }
0x43: {  	_ =	shalt  }
0x44: {  	_ =	shalt  }
0x45: {  	_ =	shalt  }
0x46: {  	_ =	shalt  }
0x47: {  	_ =	shalt  }
0x48: {  	_ =	shalt  }
0x49: {  	_ =	shalt  }
0x4a: {  	_ =	shalt  }
0x4b: {  	_ =	shalt  }
0x4c: {  	_ =	shalt  }
0x4d: {  	_ =	shalt  }
0x4e: {  	_ =	shalt  }
0x4f: {  	_ =	shalt  }
0x50: {  	_ =	shalt  }
0x51: {  	_ =	shalt  }
0x52: {  	_ =	shalt  }
0x53: {  	_ =	shalt  }
0x54: {  	_ =	shalt  }
0x55: {  	_ =	shalt  }
0x56: {  	_ =	shalt  }
0x57: {  	_ =	shalt  }
0x58: {  	_ =	shalt  }
0x59: {  	_ =	shalt  }
0x5a: {  	_ =	shalt  }
0x5b: {  	_ =	shalt  }
0x5c: {  	_ =	shalt  }
0x5d: {  	_ =	shalt  }
0x5e: {  	_ =	shalt  }
0x5f: {  	_ =	shalt  }
0x60: {  	_ =	shalt  }
0x61: {  	_ =	shalt  }
0x62: {  	_ =	shalt  }
0x63: {  	_ =	shalt  }
0x64: {  	_ =	shalt  }
0x65: {  	_ =	shalt  }
0x66: {  	_ =	shalt  }
0x67: {  	_ =	shalt  }
0x68: {  	_ =	shalt  }
0x69: {  	_ =	shalt  }
0x6a: {  	_ =	shalt  }
0x6b: {  	_ =	shalt  }
0x6c: {  	_ =	shalt  }
0x6d: {  	_ =	shalt  }
0x6e: {  	_ =	shalt  }
0x6f: {  	_ =	shalt  }
0x70: {  	_ =	shalt  }
0x71: {  	_ =	shalt  }
0x72: {  	_ =	shalt  }
0x73: {  	_ =	shalt  }
0x74: {  	_ =	shalt  }
0x75: {  	_ =	shalt  }
0x76: {  	_ =	shalt  }
0x77: {  	_ =	shalt  }
0x78: {  	_ =	shalt  }
0x79: {  	_ =	shalt  }
0x7a: {  	_ =	shalt  }
0x7b: {  	_ =	shalt  }
0x7c: {  	_ =	shalt  }
0x7d: {  	_ =	shalt  }
0x7e: {  	_ =	shalt  }
0x7f: {  	_ =	shalt  }
0x80: {  	_ =	shalt  }
0x81: {  	_ =	shalt  }
0x82: {  	_ =	shalt  }
0x83: {  	_ =	shalt  }
0x84: {  	_ =	shalt  }
0x85: {  	_ =	shalt  }
0x86: {  	_ =	shalt  }
0x87: {  	_ =	shalt  }
.Lfunc_end0:
.L_simem_size_0:
called_computation_lowered:
.L_overlay_start_0:
0x88: {  	s2 =	sld [smem:$0x3FD9]  }
0x89: {  	s3 =	sld [smem:$0x3FFE];
	_ =	sdelay $0x1  }
0x8a: {  	s1 =	srdreg.scid  }
0x8b: {  	s0 =	sand.u32 $0x1, s1  }
0x8c: {  	s18 =	sshll.u32 s0, $0xA;
	s2 =	sadd.s32 s3, s2  }
0x8d: {  	s2 =	sadd.s32 s2, s18  }
0x8e: {  	[smem:$0x3FC5] =	sst s2  }
0x8f: {  	_ = 	snop  }
0x90: {  	s2 =	sld [smem:$0x3FC9]  }
0x91: {  	s19 =	sld [smem:$0x3FC8]  }
0x92: {  	s4 =	sld [smem:$0x3FC7]  }
0x93: {  	s5 =	sld [smem:$0x3FD0];
	(tm) =	ssettm $0x1  }
0x94: {  	s6 =	sld [smem:$0x3FFB];
	_ =	sdelay $0x3  }
0x95: {  	_ =	strace s6  }
0x96: {  	s6 =	sld [smem:$0x3FFC];
	_ =	sdelay $0x3  }
0x97: {  	_ =	strace s6  }
0x98: {  	s6 =	sld [smem:$0x3FFD];
	_ =	sdelay $0x3  }
0x99: {  	_ =	strace s6  }
0x9a: {  	_ =	strace $0x8FFFFFFF  }
0x9b: {  	s20 =	sld [smem:$0x3FDB];
	_ =	sdelay $0x1  }
0x9c: {  	s7 =	simm.s32 $_scs_section_size  }
0x9d: {  	s8 =	simm.s32 $_size__tile_overlayer_lowered;
	s9 =	simm.s32 $_tile_overlayer_lowered  }
0x9e: {  	s23 =	simm.s32 $0x1BFF;
	s22 =	sshll.u32 s9, $0x1;
	s6 =	sadd.s32 s7, s20  }
0x9f: {  	s10 =	simm.s32 $0x0;
	s21 =	sshll.u32 s8, $0x1;
	s8 =	sadd.s32 s22, s6  }
0xa0: {  	[timem:s10], [sflag:s23] =	dma.local [hbm:s8], s21  }
0xa1: {  	_ =	swait.ge [sflag:s23], s21  }
0xa2: {  	s7 =	ssub.s32 $0x0, s21;
	[sflag:s23] =	ssyncset.done $0x0  }
0xa3: {  	[sflag:s23] =	ssyncadd.s32 s7;
	_ =	sdelay $0x1  }
0xa4: {  	s24 =	simm.s32 $0x1B8B  }
0xa5: {  	_ =	swait.ge [sflag:s24], $0x1  }
0xa6: {  	[sflag:s24] =	ssyncset.done $0x0  }
0xa7: {  	s25 =	simm.s32 $0x1B8E;
	[sflag:s24] =	ssyncadd.s32 $0xFFFFFFFF  }
0xa8: {  	s26 =	simm.s32 $execute0_lowered;
	[smem:$0x3FD2] =	sst s25  }
0xa9: {  	s7 =	sshll.u32 s26, $0x1;
	_ =	strace $0x80000046;
	[dreg:$0x1] =	wrdreg $0xFFFFFFFF  }
0xaa: {  	s28 =	simm.s32 $_size_execute0_lowered;
	s6 =	sadd.s32 s6, s7;
	[dreg:$0x0] =	wrdreg $0x0  }
0xab: {  	s7 =	sshll.u32 s28, $0x1;
	[dreg:$0x2] =	wrdreg s6  }
0xac: {  	[dreg:$0x3] =	wrdreg s7  }
0xad: {  	[dreg:$0x4] =	wrdreg $0xC0  }
0xae: {  	_ =	task [dreg:s10], $0x5FFFF  }
0xaf: {  	[dreg:$0x1] =	wrdreg $0xFFFFFFFF  }
0xb0: {  	[dreg:$0x0] =	wrdreg $0x60  }
0xb1: {  	[dreg:$0x2] =	wrdreg s2  }
0xb2: {  	[dreg:$0x3] =	wrdreg s19  }
0xb3: {  	[dreg:$0x4] =	wrdreg s4  }
0xb4: {  	[dreg:$0x5] =	wrdreg s5  }
0xb5: {  	[dreg:$0x6] =	wrdreg $0x9  }
0xb6: {  	_ =	task.clear_ibuf [dreg:s10], $0x7FFFF;
	_ =	strace $0x90000046  }
0xb7: {  	s29 =	simm.s32 $0x9;
	_ =	strace $0x80000048  }
0xb8: {  	_ =	swait.ge [sflag:s29], $0x1  }
0xb9: {  	[sflag:s29] =	ssyncadd.s32 $0xFFFFFFFF  }
0xba: {  	_ =	strace $0x90000048  }
0xbb: {  	_ =	sfence  }
0xbc: {  	s30 =	sld [smem:$0x0];
	_ =	sdelay $0x2  }
0xbd: {  	s31 =	sshll.u32 s1, $0xD;
	s1 =	sshrl.u32 s1, $0x2  }
0xbe: {  	s3 =	sand.u32 $0x4000, s31;
	s1 =	sadd.s32 s1, s30  }
0xbf: {  	s0 =	sor.u32 s3, s0;
	s1 =	sshll.u32 s1, $0x11  }
0xc0: {  	s0 =	sor.u32 s1, s0  }
0xc1: {  	s0 =	sadd.s32 $0x8F2B, s0  }
0xc2: {  	[sflag:s0] =	ssyncadd.remote.s32 $0x1  }
0xc3: {  	_ =	sfence.sel $0xFFFF  }
0xc4: {  	[dreg:$0x0] =	wrdreg $0xFFFFFFFF;
	(pc) =	sbr.abs _section_cstart, $3  }
0xc5: {  	[dreg:$0x1] =	wrdreg $0xFFFFFFFF  }
0xc6: {  	_ =	task.clear_ibuf [dreg:s10], $0x2FFFF;
	_ =	strace $0x9FFFFFFF  }
0xc7: {  	(tm) =	ssettm $0x7FFFFFFF  }
tec
execute0_lowered:
.L_overlay_start_1:
0x0: {  	(tag) =	ssettag $0x1  }
0x1: {  	s0 =	rddreg [dreg:$0x0]  }
0x2: {  	s3 =	rddreg [dreg:$0x1]  }
0x3: {  	s4 =	rddreg [dreg:$0x2];
	s1 =	srdreg.scid  }
0x4: {  	s5 =	rddreg [dreg:$0x3];
	s2 =	stileid.u32;
	s6 =	simm.s32 $0x0  }
0x5: {  	s12 =	simm.s32 $0x300;
	s13 =	simm.s32 $0x2300;
	s14 =	simm.s32 $0x5  }
0x6: {  	s15 =	simm.s32 $0x80;
	s16 =	simm.s32 $0x1;
	s17 =	simm.s32 $0x100  }
0x7: {  	s18 =	simm.s32 $0x180;
	s19 =	simm.s32 $0x200;
	s20 =	simm.s32 $0x280  }
0x8: {  	s21 =	simm.s32 $0x4300;
	s22 =	simm.s32 $0x2;
	s23 =	simm.s32 $0x6300  }
0x9: {  	s24 =	simm.s32 $0x3;
	s25 =	simm.s32 $0x4;
	s1 =	sand.u32 $0x1, s1  }
.Ltmp0:
0xa: {  	s2 =	sshll.u32 s2, $0x12;
	s7 =	sshll.u32 s1, $0x11;
	(pc) =	sbr.rel .LBB2_1-.Ltmp0, $4  }
0xb: {  	s26 =	simm.s32 $0x0;
	s1 =	ssub.s32 $0x2, s1;
	s7 =	sor.u32 s7, s2  }
0xc: {  	[smem:$0x7FF] =	sst s6;
	s31 =	sshrl.u32 s1, $0x1;
	s8 =	sshrl.u32 s7, $0x3  }
0xd: {  	_ =	strace $0x80000047;
	s1 =	ssub.s32 s1, s31;
	s8 =	sadd.s32 s0, s8  }
0xe: {  	s10 =	sor.u32 $0x1E000, s7;
	s11 =	smax.u32 s1, $0x1;
	s9 =	sadd.s32 $0x400, s8  }
.LBB2_10:
0xf: {  	s26 =	sadd.s32 $0x1, s26  }
0x10: {  	_ =	swait.ge [sflag:s24], $0x2000;
	p0 =	sne.s32 s26, s11  }
.Ltmp1:
0x11: {  	[sflag:s24] =	ssyncset.done $0x0;
	(pc) =	sbr.rel @!p0 .LBB2_11-.Ltmp1, $4  }
0x12: {  	[sflag:s24] =	ssyncadd.s32 $0xFFFFE000  }
0x13: {  	_ =	swait.ge [sflag:s25], $0x2000  }
0x14: {  	[sflag:s25] =	ssyncset.done $0x0  }
0x15: {  	[sflag:s25] =	ssyncadd.s32 $0xFFFFE000  }
.LBB2_1:
0x16: {  	[tilespmem:s12], [sflag:$0x1] =	stream.linear.gather [hbm4b:s8+s6], $0x2000, $0x38;
	[tilespmem:$0x8300] =	vst v63  }
0x17: {  	_ = 	snop  }
0x18: {  	[tilespmem:s13], [sflag:$0x2] =	stream.linear.gather [hbm4b:s9+s6], $0x2000, $0x38;
	[tilespmem:$0x8300] =	vst v63  }
0x19: {  	_ = 	snop  }
0x1a: {  	[tilespmem:s6], [sflag:$0x5] =	stream.linear.gather [hbm4b:s3+s6], $0x80, $0x38;
	[tilespmem:$0x8300] =	vst v63  }
0x1b: {  	_ =	swait.ge [sflag:s14], $0x80  }
0x1c: {  	[sflag:s14] =	ssyncset.done $0x0  }
0x1d: {  	[sflag:s14] =	ssyncadd.s32 $0xFFFFFF80  }
0x1e: {  	[tilespmem:s15], [sflag:$0x5] =	stream.linear.gather [hbm4b:s4+s6], $0x80, $0x38;
	[tilespmem:$0x8300] =	vst v63  }
0x1f: {  	_ =	swait.ge [sflag:s14], $0x80  }
0x20: {  	[sflag:s14] =	ssyncset.done $0x0  }
0x21: {  	[sflag:s14] =	ssyncadd.s32 $0xFFFFFF80  }
0x22: {  	v0 =	vld [tilespmem:$0x0]  }
0x23: {  	v1 =	vld [tilespmem:$0x1]  }
0x24: {  	v2 =	vld [tilespmem:$0x80]  }
0x25: {  	v3 =	vld [tilespmem:$0x10]  }
0x26: {  	v4 =	vld [tilespmem:$0x11]  }
0x27: {  	v6 =	vld [tilespmem:$0x90]  }
0x28: {  	v9 =	vld [tilespmem:$0x20]  }
0x29: {  	v10 =	vld [tilespmem:$0x21]  }
0x2a: {  	v11 =	vld [tilespmem:$0xA0]  }
0x2b: {  	v45 =	vld [tilespmem:$0xB0]  }
0x2c: {  	v1 =	vsub.f32 v1, v0  }
0x2d: {  	v5 =	vld [tilespmem:$0x81];
	v8 =	vadd.f32 v2, v2;
	v4 =	vsub.f32 v4, v3  }
0x2e: {  	v14 =	vld [tilespmem:$0x30];
	v13 =	vadd.f32 v6, v6;
	v10 =	vsub.f32 v10, v9  }
0x2f: {  	v40 =	vld [tilespmem:$0x31];
	v48 =	vadd.f32 v11, v11;
	v50 =	vmul.f32 $6.250000000e-02, v6;
	v7 =	vmul.f32 $4.800000000e+01, v1  }
0x30: {  	[tilespmem:$0x100] =	vst v0;
	v57 =	vadd.f32 v45, v45;
	v1 =	vmul.f32 $3.200000000e+01, v1;
	v12 =	vmul.f32 $4.800000000e+01, v4  }
0x31: {  	v39 =	vld [tilespmem:$0x91];
	[tilespmem:$0x110] =	vst v3;
	v59 =	vmul.f32 $6.250000000e-02, v11;
	v4 =	vmul.f32 $3.200000000e+01, v4;
	v7 =	vsub.f32 v7, v8  }
0x32: {  	[tilespmem:$0x120] =	vst v9;
	v47 =	vmul.f32 $4.800000000e+01, v10;
	v1 =	vsub.f32 v2, v1;
	v42 =	vsub.f32 v12, v13  }
0x33: {  	v43 =	vld [tilespmem:$0xA1];
	[tilespmem:$0x130] =	vst v14;
	v51 =	vmul.f32 $3.200000000e+01, v10;
	v44 =	vsub.f32 v6, v4;
	v7 =	vsub.f32 v7, v5  }
0x34: {  	v62 =	vmul.f32 $6.250000000e-02, v45;
	[tilespmem:$0x190] =	vst v50;
	v1 =	vadd.f32 v1, v5;
	v5 =	vsub.f32 v40, v14  }
0x35: {  	v54 =	vld [tilespmem:$0xB1];
	[tilespmem:$0x1A0] =	vst v59;
	v2 =	vmul.f32 $6.250000000e-02, v2;
	v52 =	vsub.f32 v47, v48;
	v53 =	vsub.f32 v11, v51  }
0x36: {  	[tilespmem:$0x1B0] =	vst v62;
	v46 =	vsub.f32 v42, v39;
	v41 =	vmul.f32 $6.250000000e-02, v7;
	v56 =	vmul.f32 $4.800000000e+01, v5  }
0x37: {  	[tilespmem:$0x180] =	vst v2;
	v49 =	vadd.f32 v44, v39;
	v1 =	vmul.f32 $6.250000000e-02, v1;
	v5 =	vmul.f32 $3.200000000e+01, v5  }
0x38: {  	v55 =	vsub.f32 v52, v43;
	v0 =	vmul.f32 $6.250000000e-02, v46;
	[tilespmem:$0x200] =	vst v41;
	v3 =	vsub.f32 v56, v57  }
0x39: {  	v58 =	vadd.f32 v53, v43;
	[tilespmem:$0x280] =	vst v1;
	v1 =	vmul.f32 $6.250000000e-02, v49;
	v60 =	vsub.f32 v45, v5  }
0x3a: {  	[tilespmem:$0x210] =	vst v0;
	v0 =	vmul.f32 $6.250000000e-02, v55;
	v61 =	vsub.f32 v3, v54  }
0x3b: {  	[tilespmem:$0x290] =	vst v1;
	v1 =	vmul.f32 $6.250000000e-02, v58;
	v2 =	vadd.f32 v60, v54  }
0x3c: {  	[tilespmem:$0x220] =	vst v0;
	v0 =	vmul.f32 $6.250000000e-02, v61  }
0x3d: {  	[tilespmem:$0x2A0] =	vst v1;
	v63 =	vmul.f32 $6.250000000e-02, v2  }
0x3e: {  	[tilespmem:$0x230] =	vst v0  }
0x3f: {  	s28 =	simm.s32 $0x0;
	[tilespmem:$0x2B0] =	vst v63  }
.LBB2_2:
0x40: {  	p0 =	seq.s32 s28, $0x0  }
0x41: {  	s1 =	simm.s32 @!p0 $0x3  }
0x42: {  	_ =	swait.ge @!p0 [sflag:s1], $0x2000  }
0x43: {  	[sflag:s1] =	ssyncset.done @!p0 $0x0  }
0x44: {  	[sflag:s1] =	ssyncadd.s32 @!p0 $0xFFFFE000  }
0x45: {  	_ =	swait.ge [sflag:s16], $0x2000  }
0x46: {  	[sflag:s16] =	ssyncset.done $0x0  }
0x47: {  	s2 =	simm.s32 $0x340;
	[sflag:s16] =	ssyncadd.s32 $0xFFFFE000  }
0x48: {  	v0 =	vld [tilespmem:s2+$0x30]  }
0x49: {  	v1 =	vld [tilespmem:s2+$0xFFFFFFD0]  }
0x4a: {  	v2 =	vld [tilespmem:s2+$0xFFFFFFE0]  }
0x4b: {  	v3 =	vld [tilespmem:s2+$0xFFFFFFF0]  }
0x4c: {  	v4 =	vld [tilespmem:s2+$0x0]  }
0x4d: {  	v5 =	vld [tilespmem:s2+$0x10]  }
0x4e: {  	v6 =	vld [tilespmem:s2+$0xFFFFFFC0];
	v0 =	vmul.f32 $1.600000000e+01, v0  }
0x4f: {  	v7 =	vld [tilespmem:s2+$0x20];
	v1 =	vmul.f32 $1.600000000e+01, v1  }
0x50: {  	v2 =	vmul.f32 $1.600000000e+01, v2;
	v8 =	vadd.f32 $3.200000000e+01, v0  }
0x51: {  	v0 =	vmul.f32 $1.600000000e+01, v3;
	v9 =	vadd.f32 $3.200000000e+01, v1  }
0x52: {  	v2 =	vadd.f32 $3.200000000e+01, v2;
	v1 =	vmul.f32 $1.600000000e+01, v4;
	v3 =	vmax.f32 v8, $0.0e+00  }
0x53: {  	v4 =	vadd.f32 $3.200000000e+01, v0;
	v0 =	vmul.f32 $1.600000000e+01, v5;
	v5 =	vmul.f32 $1.600000000e+01, v6  }
0x54: {  	v6 =	vadd.f32 $3.200000000e+01, v1;
	v1 =	vmul.f32 $1.600000000e+01, v7;
	v3 =	vmin.f32 v3, $6.300000000e+01  }
0x55: {  	v3 =	vtrunc.f32 v3;
	v12 =	vadd.f32 $3.200000000e+01, v0;
	v5 =	vadd.f32 $3.200000000e+01, v5  }
0x56: {  	v0 =	vmax.f32 v9, $0.0e+00;
	v17 =	vadd.f32 $3.200000000e+01, v1;
	v7 =	vcvt.f32.s32 v3  }
0x57: {  	v1 =	vmax.f32 v4, $0.0e+00;
	v10 =	vmax.f32 v6, $0.0e+00;
	v3 =	vmax.f32 v2, $0.0e+00  }
0x58: {  	v0 =	vmin.f32 v0, $6.300000000e+01;
	v10 =	vmin.f32 v10, $6.300000000e+01;
	v11 =	vmax.f32 v5, $0.0e+00  }
0x59: {  	v0 =	vtrunc.f32 v0;
	v10 =	vtrunc.f32 v10;
	v11 =	vmin.f32 v11, $6.300000000e+01  }
0x5a: {  	v3 =	vmin.f32 v3, $6.300000000e+01;
	v15 =	vcvt.f32.s32 v10;
	v11 =	vtrunc.f32 v11  }
0x5b: {  	v1 =	vmin.f32 v1, $6.300000000e+01;
	v3 =	vtrunc.f32 v3;
	v18 =	vcvt.f32.s32 v11  }
0x5c: {  	v11 =	vtrunc.f32 v1;
	v1 =	vcvt.f32.s32 v0;
	v16 =	vld.idx.msk [tilespmem:v7+s20+$0x0], $0xffff  }
0x5d: {  	v13 =	vmax.f32 v12, $0.0e+00;
	v0 =	vcvt.f32.s32 v3;
	v20 =	vld.idx.msk [tilespmem:v7+s19+$0x0], $0xffff  }
0x5e: {  	v13 =	vmin.f32 v13, $6.300000000e+01;
	v10 =	vld.idx.msk [tilespmem:v7+s18+$0x0], $0xffff  }
0x5f: {  	v13 =	vtrunc.f32 v13;
	v21 =	vld.idx.msk [tilespmem:v7+s17+$0x0], $0xffff  }
0x60: {  	v19 =	vcvt.s32.f32 v7;
	v13 =	vcvt.f32.s32 v13;
	v26 =	vld.idx.msk [tilespmem:v15+s20+$0x0], $0xffff  }
0x61: {  	v14 =	vmax.f32 v17, $0.0e+00;
	v22 =	vld.idx.msk [tilespmem:v18+s20+$0x0], $0xffff  }
0x62: {  	v8 =	vsub.f32 v8, v19;
	v3 =	vcvt.f32.s32 v11;
	v11 =	vmin.f32 v14, $6.300000000e+01;
	v19 =	vld.idx.msk [tilespmem:v1+s20+$0x0], $0xffff  }
0x63: {  	v11 =	vtrunc.f32 v11;
	v23 =	vld.idx.msk [tilespmem:v0+s20+$0x0], $0xffff  }
0x64: {  	v7 =	vcvt.f32.s32 v11;
	v28 =	vld.idx.msk [tilespmem:v18+s19+$0x0], $0xffff  }
0x65: {  	v32 =	vld.idx.msk [tilespmem:v0+s19+$0x0], $0xffff;
	v11 =	vmul.f32 v8, v16  }
0x66: {  	v60 =	vld.idx.msk [tilespmem:v13+s19+$0x0], $0xffff  }
0x67: {  	v39 =	vld.idx.msk [tilespmem:v0+s18+$0x0], $0xffff;
	v11 =	vadd.f32 v11, v20  }
0x68: {  	v25 =	vld.idx.msk [tilespmem:v3+s20+$0x0], $0xffff;
	v16 =	vcvt.s32.f32 v1  }
0x69: {  	v14 =	vcvt.s32.f32 v18;
	v20 =	vld.idx.msk [tilespmem:v13+s20+$0x0], $0xffff;
	v24 =	vmul.f32 v11, v8  }
0x6a: {  	v31 =	vcvt.s32.f32 v15;
	v29 =	vcvt.s32.f32 v0;
	v27 =	vld.idx.msk [tilespmem:v7+s20+$0x0], $0xffff;
	v16 =	vsub.f32 v9, v16  }
0x6b: {  	v30 =	vcvt.s32.f32 v3;
	v11 =	vsub.f32 v5, v14;
	v5 =	vld.idx.msk [tilespmem:v1+s19+$0x0], $0xffff;
	v9 =	vadd.f32 v24, v10  }
0x6c: {  	s2 =	simm.s32 $0x3C0;
	v33 =	vcvt.s32.f32 v13;
	v34 =	vcvt.s32.f32 v7;
	v24 =	vsub.f32 v2, v29;
	v2 =	vld.idx.msk [tilespmem:v3+s19+$0x0], $0xffff  }
0x6d: {  	v14 =	vsub.f32 v4, v30;
	v10 =	vsub.f32 v6, v31;
	v6 =	vld [tilespmem:s2+$0x30];
	v4 =	vmul.f32 v9, v8  }
0x6e: {  	v9 =	vsub.f32 v12, v33;
	v8 =	vsub.f32 v17, v34;
	v12 =	vmul.f32 v11, v22;
	v17 =	vld [tilespmem:s2+$0xFFFFFFD0]  }
0x6f: {  	v22 =	vmul.f32 v14, v25;
	v25 =	vld [tilespmem:s2+$0xFFFFFFF0];
	v29 =	vadd.f32 v4, v21;
	v4 =	vmul.f32 v16, v19  }
0x70: {  	v46 =	vld.idx.msk [tilespmem:v13+s18+$0x0], $0xffff;
	v19 =	vmul.f32 v24, v23;
	v23 =	vmul.f32 v10, v26  }
0x71: {  	v21 =	vld [tilespmem:s2+$0xFFFFFFE0];
	v12 =	vadd.f32 v12, v28;
	v20 =	vmul.f32 v9, v20;
	v26 =	vmul.f32 v8, v27  }
0x72: {  	v27 =	vld [tilespmem:s2+$0x10];
	v6 =	vmul.f32 $1.600000000e+01, v6;
	v2 =	vadd.f32 v22, v2;
	v4 =	vadd.f32 v4, v5  }
0x73: {  	v28 =	vld [tilespmem:s2+$0xFFFFFFC0];
	v12 =	vmul.f32 v12, v11;
	v19 =	vadd.f32 v19, v32;
	v17 =	vmul.f32 $1.600000000e+01, v17  }
0x74: {  	v5 =	vld [tilespmem:s2+$0x0];
	v32 =	vadd.f32 v20, v60;
	v31 =	vmul.f32 v2, v14;
	v2 =	vmul.f32 $1.600000000e+01, v25  }
0x75: {  	v4 =	vmul.f32 v4, v16;
	v19 =	vmul.f32 v19, v24  }
0x76: {  	v30 =	vadd.f32 $3.200000000e+01, v6;
	v32 =	vmul.f32 v32, v9;
	v21 =	vmul.f32 $1.600000000e+01, v21  }
0x77: {  	v22 =	vld [tilespmem:s2+$0x20];
	v17 =	vadd.f32 $3.200000000e+01, v17;
	v61 =	vadd.f32 $3.200000000e+01, v2;
	v2 =	vmul.f32 $1.600000000e+01, v27  }
0x78: {  	v44 =	vld.idx.msk [tilespmem:v15+s18+$0x0], $0xffff;
	v28 =	vmul.f32 $1.600000000e+01, v28;
	v39 =	vadd.f32 v19, v39;
	v32 =	vadd.f32 v32, v46  }
0x79: {  	v50 =	vld.idx.msk [tilespmem:v18+s17+$0x0], $0xffff;
	v25 =	vadd.f32 $3.200000000e+01, v21;
	v5 =	vmul.f32 $1.600000000e+01, v5;
	v21 =	vmax.f32 v30, $0.0e+00  }
0x7a: {  	v6 =	vld.idx.msk [tilespmem:v15+s19+$0x0], $0xffff;
	v35 =	vadd.f32 $3.200000000e+01, v2;
	v2 =	vmax.f32 v17, $0.0e+00;
	v28 =	vadd.f32 $3.200000000e+01, v28  }
0x7b: {  	v51 =	vld.idx.msk [tilespmem:v1+s17+$0x0], $0xffff;
	v21 =	vmin.f32 v21, $6.300000000e+01;
	v2 =	vmin.f32 v2, $6.300000000e+01;
	v39 =	vmul.f32 v39, v24  }
0x7c: {  	v27 =	vld.idx.msk [tilespmem:v7+s19+$0x0], $0xffff;
	v9 =	vmul.f32 v32, v9;
	v62 =	vadd.f32 $3.200000000e+01, v5;
	v5 =	vmul.f32 $1.600000000e+01, v22  }
0x7d: {  	v21 =	vtrunc.f32 v21;
	v22 =	vld.idx.msk [tilespmem:v18+s18+$0x0], $0xffff;
	v37 =	vmax.f32 v25, $0.0e+00;
	v42 =	vmax.f32 v35, $0.0e+00  }
0x7e: {  	v41 =	vld.idx.msk [tilespmem:v3+s18+$0x0], $0xffff;
	v45 =	vmax.f32 v28, $0.0e+00;
	v2 =	vtrunc.f32 v2;
	v36 =	vcvt.f32.s32 v21  }
0x7f: {  	v47 =	vld.idx.msk [tilespmem:v7+s18+$0x0], $0xffff;
	v18 =	vadd.f32 v23, v6;
	v37 =	vmin.f32 v37, $6.300000000e+01;
	v40 =	vmax.f32 v62, $0.0e+00  }
0x80: {  	v21 =	vld.idx.msk [tilespmem:v1+s18+$0x0], $0xffff;
	v45 =	vmin.f32 v45, $6.300000000e+01;
	v40 =	vmin.f32 v40, $6.300000000e+01;
	v63 =	vcvt.s32.f32 v36  }
0x81: {  	v26 =	vadd.f32 v26, v27;
	v38 =	vadd.f32 $3.200000000e+01, v5;
	v23 =	vtrunc.f32 v40;
	v40 =	vld.idx.msk [tilespmem:v0+s17+$0x0], $0xffff  }
0x82: {  	v45 =	vtrunc.f32 v45;
	v27 =	vsub.f32 v30, v63;
	v30 =	vadd.f32 v12, v22;
	v12 =	vld.idx.msk [tilespmem:v3+s17+$0x0], $0xffff  }
0x83: {  	v5 =	vmax.f32 v61, $0.0e+00;
	v6 =	vcvt.f32.s32 v45;
	v3 =	vcvt.f32.s32 v23;
	v23 =	vld.idx.msk [tilespmem:v7+s17+$0x0], $0xffff  }
0x84: {  	v42 =	vmin.f32 v42, $6.300000000e+01;
	v37 =	vtrunc.f32 v37;
	v5 =	vmin.f32 v5, $6.300000000e+01;
	v48 =	vld.idx.msk [tilespmem:v36+s20+$0x0], $0xffff  }
0x85: {  	v49 =	vtrunc.f32 v5;
	v5 =	vcvt.f32.s32 v2;
	v53 =	vadd.f32 v4, v21;
	v21 =	vld.idx.msk [tilespmem:v15+s17+$0x0], $0xffff  }
0x86: {  	v42 =	vtrunc.f32 v42;
	v43 =	vmax.f32 v38, $0.0e+00;
	v2 =	vcvt.f32.s32 v37;
	v20 =	vld.idx.msk [tilespmem:v36+s19+$0x0], $0xffff  }
0x87: {  	v58 =	vmul.f32 v18, v10;
	v26 =	vmul.f32 v26, v8;
	v43 =	vmin.f32 v43, $6.300000000e+01;
	v52 =	vld.idx.msk [tilespmem:v36+s18+$0x0], $0xffff  }
0x88: {  	s31 =	simm.s32 $0x4340;
	v1 =	vcvt.f32.s32 v49;
	v43 =	vtrunc.f32 v43;
	v36 =	vld.idx.msk [tilespmem:v36+s17+$0x0], $0xffff  }
0x89: {  	[tilespmem:s31+$0x30] =	vst v29;
	v4 =	vcvt.f32.s32 v42;
	v29 =	vld.idx.msk [tilespmem:v6+s20+$0x0], $0xffff;
	v22 =	vmul.f32 v27, v48  }
0x8a: {  	v31 =	vadd.f32 v31, v41;
	v15 =	vcvt.s32.f32 v6;
	v19 =	vcvt.s32.f32 v5;
	v33 =	vld.idx.msk [tilespmem:v6+s19+$0x0], $0xffff  }
0x8b: {  	v54 =	vcvt.s32.f32 v2;
	v0 =	vcvt.f32.s32 v43;
	v57 =	vld.idx.msk [tilespmem:v5+s20+$0x0], $0xffff;
	v20 =	vadd.f32 v22, v20  }
0x8c: {  	v37 =	vadd.f32 v58, v44;
	v55 =	vcvt.s32.f32 v1;
	v30 =	vmul.f32 v30, v11;
	v59 =	vld.idx.msk [tilespmem:v2+s20+$0x0], $0xffff  }
0x8d: {  	v63 =	vadd.f32 v26, v47;
	v11 =	vmul.f32 v31, v14;
	v31 =	vld.idx.msk [tilespmem:v5+s19+$0x0], $0xffff;
	v20 =	vmul.f32 v20, v27  }
0x8e: {  	v14 =	vmul.f32 v37, v10;
	v7 =	vsub.f32 v28, v15;
	v22 =	vld.idx.msk [tilespmem:v13+s17+$0x0], $0xffff;
	v13 =	vsub.f32 v17, v19  }
0x8f: {  	v28 =	vcvt.s32.f32 v4;
	v60 =	vld.idx.msk [tilespmem:v1+s20+$0x0], $0xffff;
	v17 =	vsub.f32 v25, v54;
	v25 =	vadd.f32 v20, v52  }
0x90: {  	v15 =	vcvt.s32.f32 v3;
	v56 =	vcvt.s32.f32 v0;
	v20 =	vsub.f32 v61, v55;
	v61 =	vld.idx.msk [tilespmem:v3+s20+$0x0], $0xffff  }
0x91: {  	v10 =	vadd.f32 v39, v40;
	v18 =	vsub.f32 v35, v28;
	v28 =	vld.idx.msk [tilespmem:v4+s20+$0x0], $0xffff;
	v25 =	vmul.f32 v25, v27  }
0x92: {  	v19 =	vsub.f32 v62, v15;
	v62 =	vmul.f32 v53, v16;
	v16 =	vmul.f32 v7, v29;
	v29 =	vld.idx.msk [tilespmem:v0+s20+$0x0], $0xffff  }
0x93: {  	v8 =	vmul.f32 v63, v8;
	v35 =	vadd.f32 v30, v50;
	v30 =	vld.idx.msk [tilespmem:v2+s19+$0x0], $0xffff;
	v25 =	vadd.f32 v25, v36  }
0x94: {  	s29 =	simm.s32 $0x43C0;
	s2 =	sshll.u32 s28, $0xE;
	v32 =	vld.idx.msk [tilespmem:v1+s19+$0x0], $0xffff;
	v15 =	vsub.f32 v38, v56;
	v27 =	vmul.f32 v13, v57;
	v26 =	vmul.f32 v20, v60  }
0x95: {  	s1 =	simm.s32 $0x80;
	s30 =	sor.u32 s7, s2;
	s2 =	simm.s32 $0x440;
	v34 =	vadd.f32 v62, v51;
	v24 =	vmul.f32 v19, v61;
	[tilespmem:s29+$0x30] =	vst v25;
	v25 =	vmul.f32 v17, v59  }
.LBB2_3:
0x96: {  	v36 =	vld [tilespmem:s2+$0x30];
	s1 =	sadd.s32 $0x80, s1;
	v28 =	vmul.f32 v18, v28;
	[tilespmem:s31+$0xFFFFFFC0] =	vst v35;
	v12 =	vadd.f32 v11, v12;
	v21 =	vadd.f32 v14, v21  }
0x97: {  	v29 =	vmul.f32 v15, v29;
	v22 =	vadd.f32 v9, v22;
	v35 =	vld [tilespmem:s2+$0xFFFFFFD0];
	p0 =	slt.u32 s1, $0x1F80;
	[tilespmem:s31+$0xFFFFFFD0] =	vst v34;
	v23 =	vadd.f32 v8, v23  }
0x98: {  	v14 =	vmovc v17;
	v11 =	vmovc v20;
	v9 =	vmov v19;
	v33 =	vadd.f32 v16, v33;
	v16 =	vmov v13;
	v34 =	vld [tilespmem:s2+$0xFFFFFFE0];
	[tilespmem:s31+$0xFFFFFFE0] =	vst v10  }
0x99: {  	v8 =	vmov v15;
	v17 =	vadd.f32 v27, v31;
	v10 =	vmov v18;
	v13 =	vld [tilespmem:s2+$0xFFFFFFF0];
	[tilespmem:s31+$0xFFFFFFF0] =	vst v12  }
0x9a: {  	v15 =	vmul.f32 v33, v7;
	v18 =	vadd.f32 v25, v30;
	v12 =	vld [tilespmem:s2+$0x0];
	[tilespmem:s31+$0x0] =	vst v21  }
0x9b: {  	v17 =	vmul.f32 v17, v16;
	v21 =	vadd.f32 v26, v32;
	v19 =	vld [tilespmem:s2+$0x10];
	v20 =	vmul.f32 $1.600000000e+01, v36;
	[tilespmem:s31+$0x10] =	vst v22  }
0x9c: {  	v18 =	vmul.f32 v18, v14;
	v22 =	vmul.f32 $1.600000000e+01, v35;
	v25 =	vld [tilespmem:s2+$0x20];
	[tilespmem:s31+$0x20] =	vst v23;
	s31 =	smov.u32 s29  }
0x9d: {  	v27 =	vmul.f32 v21, v11;
	v23 =	vld [tilespmem:s2+$0xFFFFFFC0];
	v26 =	vmul.f32 $1.600000000e+01, v34;
	v20 =	vadd.f32 $3.200000000e+01, v20  }
0x9e: {  	v30 =	vadd.f32 $3.200000000e+01, v22;
	v13 =	vmul.f32 $1.600000000e+01, v13;
	v21 =	vld.idx.msk [tilespmem:v3+s19+$0x0], $0xffff  }
0x9f: {  	v26 =	vadd.f32 $3.200000000e+01, v26;
	v12 =	vmul.f32 $1.600000000e+01, v12;
	v22 =	vmax.f32 v20, $0.0e+00;
	v31 =	vld.idx.msk [tilespmem:v4+s19+$0x0], $0xffff  }
0xa0: {  	v32 =	vadd.f32 $3.200000000e+01, v13;
	v13 =	vmul.f32 $1.600000000e+01, v19;
	v19 =	vmin.f32 v22, $6.300000000e+01;
	v22 =	vld.idx.msk [tilespmem:v0+s19+$0x0], $0xffff  }
0xa1: {  	v33 =	vadd.f32 $3.200000000e+01, v12;
	v12 =	vmul.f32 $1.600000000e+01, v25;
	v19 =	vtrunc.f32 v19;
	v25 =	vld.idx.msk [tilespmem:v6+s18+$0x0], $0xffff  }
0xa2: {  	v23 =	vmul.f32 $1.600000000e+01, v23;
	v34 =	vadd.f32 $3.200000000e+01, v13;
	v13 =	vcvt.f32.s32 v19;
	v19 =	vld.idx.msk [tilespmem:v5+s18+$0x0], $0xffff  }
0xa3: {  	v35 =	vmax.f32 v30, $0.0e+00;
	v36 =	vmax.f32 v26, $0.0e+00;
	v37 =	vadd.f32 $3.200000000e+01, v12;
	v38 =	vld.idx.msk [tilespmem:v2+s18+$0x0], $0xffff  }
0xa4: {  	v12 =	vmax.f32 v32, $0.0e+00;
	v39 =	vadd.f32 $3.200000000e+01, v23;
	v23 =	vmax.f32 v33, $0.0e+00;
	v40 =	vld.idx.msk [tilespmem:v1+s18+$0x0], $0xffff  }
0xa5: {  	v35 =	vmin.f32 v35, $6.300000000e+01;
	v41 =	vmax.f32 v34, $0.0e+00;
	v42 =	vmax.f32 v37, $0.0e+00;
	v43 =	vld.idx.msk [tilespmem:v3+s18+$0x0], $0xffff  }
0xa6: {  	v36 =	vmin.f32 v36, $6.300000000e+01;
	v12 =	vmin.f32 v12, $6.300000000e+01;
	v44 =	vmax.f32 v39, $0.0e+00;
	v45 =	vld.idx.msk [tilespmem:v4+s18+$0x0], $0xffff  }
0xa7: {  	v23 =	vmin.f32 v23, $6.300000000e+01;
	v41 =	vmin.f32 v41, $6.300000000e+01;
	v44 =	vmin.f32 v44, $6.300000000e+01;
	v46 =	vld.idx.msk [tilespmem:v0+s18+$0x0], $0xffff  }
0xa8: {  	v35 =	vtrunc.f32 v35;
	v42 =	vmin.f32 v42, $6.300000000e+01;
	v44 =	vtrunc.f32 v44;
	v47 =	vld.idx.msk [tilespmem:v13+s20+$0x0], $0xffff  }
0xa9: {  	v36 =	vtrunc.f32 v36;
	v24 =	vadd.f32 v24, v21;
	v48 =	vtrunc.f32 v12;
	v49 =	vld.idx.msk [tilespmem:v6+s17+$0x0], $0xffff  }
0xaa: {  	v28 =	vadd.f32 v28, v31;
	v12 =	vcvt.s32.f32 v13;
	v21 =	vtrunc.f32 v23;
	v23 =	vld.idx.msk [tilespmem:v13+s19+$0x0], $0xffff  }
0xab: {  	v29 =	vadd.f32 v29, v22;
	v31 =	vtrunc.f32 v41;
	v41 =	vtrunc.f32 v42;
	v42 =	vld.idx.msk [tilespmem:v5+s17+$0x0], $0xffff  }
0xac: {  	v6 =	vcvt.f32.s32 v44;
	v5 =	vcvt.f32.s32 v35;
	v35 =	vsub.f32 v20, v12;
	v44 =	vld.idx.msk [tilespmem:v2+s17+$0x0], $0xffff  }
0xad: {  	v25 =	vadd.f32 v15, v25;
	v2 =	vcvt.f32.s32 v36;
	v12 =	vld.idx.msk [tilespmem:v1+s17+$0x0], $0xffff;
	v1 =	vcvt.f32.s32 v48  }
0xae: {  	v15 =	vcvt.f32.s32 v21;
	v36 =	vadd.f32 v17, v19;
	v22 =	vmul.f32 v35, v47;
	v20 =	vld.idx.msk [tilespmem:v13+s18+$0x0], $0xffff  }
0xaf: {  	v17 =	vcvt.f32.s32 v31;
	v19 =	vcvt.f32.s32 v41;
	v31 =	vadd.f32 v18, v38;
	v21 =	vld.idx.msk [tilespmem:v3+s17+$0x0], $0xffff  }
0xb0: {  	v18 =	vcvt.s32.f32 v6;
	v38 =	vcvt.s32.f32 v5;
	v41 =	vadd.f32 v22, v23;
	v3 =	vmovc v15;
	v22 =	vld.idx.msk [tilespmem:v4+s17+$0x0], $0xffff  }
0xb1: {  	v40 =	vadd.f32 v27, v40;
	v15 =	vcvt.s32.f32 v2;
	v47 =	vcvt.s32.f32 v1;
	v4 =	vmovc v17;
	v23 =	vld.idx.msk [tilespmem:v0+s17+$0x0], $0xffff;
	v0 =	vmovc v19  }
0xb2: {  	v39 =	vsub.f32 v39, v18;
	v18 =	vcvt.s32.f32 v3;
	v19 =	vmul.f32 v41, v35;
	v27 =	vld.idx.msk [tilespmem:v13+s17+$0x0], $0xffff  }
0xb3: {  	v13 =	vsub.f32 v30, v38;
	v30 =	vcvt.s32.f32 v4;
	v38 =	vcvt.s32.f32 v0;
	v41 =	vld.idx.msk [tilespmem:v6+s20+$0x0], $0xffff  }
0xb4: {  	v24 =	vmul.f32 v24, v9;
	v17 =	vsub.f32 v26, v15;
	v26 =	vadd.f32 v19, v20;
	v48 =	vld.idx.msk [tilespmem:v5+s20+$0x0], $0xffff  }
0xb5: {  	v28 =	vmul.f32 v28, v10;
	v20 =	vsub.f32 v32, v47;
	v19 =	vsub.f32 v33, v18;
	v50 =	vld.idx.msk [tilespmem:v2+s20+$0x0], $0xffff  }
0xb6: {  	v18 =	vsub.f32 v34, v30;
	v15 =	vsub.f32 v37, v38;
	v26 =	vmul.f32 v26, v35;
	v32 =	vld.idx.msk [tilespmem:v1+s20+$0x0], $0xffff  }
0xb7: {  	v24 =	vadd.f32 v24, v43;
	v38 =	vadd.f32 v28, v45;
	v30 =	vmul.f32 v29, v8;
	v37 =	vld.idx.msk [tilespmem:v3+s20+$0x0], $0xffff  }
0xb8: {  	v36 =	vmul.f32 v36, v16;
	v34 =	vmul.f32 v25, v7;
	v26 =	vadd.f32 v26, v27;
	v28 =	vld.idx.msk [tilespmem:v4+s20+$0x0], $0xffff  }
.Ltmp2:
0xb9: {  	s29 =	sadd.s32 $0x80, s29;
	v43 =	vadd.f32 v30, v46;
	v16 =	vmul.f32 v39, v41;
	v41 =	vmul.f32 v31, v14;
	v29 =	vld.idx.msk [tilespmem:v0+s20+$0x0], $0xffff;
	(pc) =	sbr.rel @p0 .LBB2_3-.Ltmp2, $4  }
0xba: {  	v11 =	vmul.f32 v40, v11;
	v7 =	vmov v39;
	v27 =	vmul.f32 v13, v48;
	v33 =	vld.idx.msk [tilespmem:v6+s19+$0x0], $0xffff;
	[tilespmem:s29+$0x30] =	vst v26  }
0xbb: {  	v35 =	vadd.f32 v34, v49;
	v14 =	vmul.f32 v24, v9;
	v25 =	vmul.f32 v17, v50;
	v31 =	vld.idx.msk [tilespmem:v5+s19+$0x0], $0xffff  }
0xbc: {  	v34 =	vadd.f32 v36, v42;
	v9 =	vmul.f32 v38, v10;
	v26 =	vmul.f32 v20, v32;
	v30 =	vld.idx.msk [tilespmem:v2+s19+$0x0], $0xffff  }
0xbd: {  	s2 =	sadd.s32 $0x80, s2;
	v8 =	vmul.f32 v43, v8;
	v10 =	vadd.f32 v41, v44;
	v24 =	vmul.f32 v19, v37;
	v32 =	vld.idx.msk [tilespmem:v1+s19+$0x0], $0xffff  }
0xbe: {  	_ =	sdelay $0x3  }
0xbf: {  	v36 =	vld.idx.msk [tilespmem:v3+s19+$0x0], $0xffff  }
0xc0: {  	v37 =	vld.idx.msk [tilespmem:v4+s19+$0x0], $0xffff  }
0xc1: {  	v38 =	vld.idx.msk [tilespmem:v0+s19+$0x0], $0xffff  }
0xc2: {  	v39 =	vld.idx.msk [tilespmem:v6+s18+$0x0], $0xffff  }
0xc3: {  	v63 =	vld.idx.msk [tilespmem:v5+s18+$0x0], $0xffff  }
0xc4: {  	v40 =	vld.idx.msk [tilespmem:v1+s18+$0x0], $0xffff  }
0xc5: {  	v42 =	vld.idx.msk [tilespmem:v3+s18+$0x0], $0xffff  }
0xc6: {  	v43 =	vld.idx.msk [tilespmem:v4+s18+$0x0], $0xffff  }
0xc7: {  	v44 =	vld.idx.msk [tilespmem:v0+s18+$0x0], $0xffff  }
0xc8: {  	v45 =	vld.idx.msk [tilespmem:v6+s17+$0x0], $0xffff  }
0xc9: {  	[tilespmem:s31+$0xFFFFFFC0] =	vst v35;
	v48 =	vld.idx.msk [tilespmem:v5+s17+$0x0], $0xffff  }
0xca: {  	v11 =	vadd.f32 v11, v12;
	v62 =	vadd.f32 v14, v21;
	[tilespmem:s31+$0xFFFFFFD0] =	vst v34;
	v50 =	vld.idx.msk [tilespmem:v2+s17+$0x0], $0xffff  }
0xcb: {  	v9 =	vadd.f32 v9, v22;
	v34 =	vmul.f32 v18, v28;
	v51 =	vld.idx.msk [tilespmem:v1+s17+$0x0], $0xffff;
	v16 =	vadd.f32 v16, v33  }
0xcc: {  	v35 =	vmul.f32 v15, v29;
	v33 =	vld.idx.msk [tilespmem:v2+s18+$0x0], $0xffff;
	v8 =	vadd.f32 v8, v23;
	v41 =	vadd.f32 v27, v31  }
0xcd: {  	v53 =	vld.idx.msk [tilespmem:v3+s17+$0x0], $0xffff;
	v16 =	vmul.f32 v16, v7;
	v25 =	vadd.f32 v25, v30;
	v26 =	vadd.f32 v26, v32  }
0xce: {  	v56 =	vld.idx.msk [tilespmem:v4+s17+$0x0], $0xffff;
	v23 =	vmul.f32 v41, v13;
	v46 =	vadd.f32 v24, v36;
	v22 =	vadd.f32 v34, v37  }
0xcf: {  	v59 =	vld.idx.msk [tilespmem:v0+s17+$0x0], $0xffff;
	v25 =	vmul.f32 v25, v17;
	v16 =	vadd.f32 v16, v39;
	v49 =	vadd.f32 v35, v38  }
0xd0: {  	[tilespmem:s31+$0x20] =	vst v8;
	v47 =	vmul.f32 v26, v20;
	v14 =	vadd.f32 v23, v63;
	v8 =	vmul.f32 v46, v19  }
0xd1: {  	[tilespmem:s31+$0xFFFFFFE0] =	vst v10;
	v21 =	vadd.f32 v25, v33;
	v52 =	vmul.f32 v16, v7;
	v54 =	vmul.f32 v22, v18  }
0xd2: {  	[tilespmem:s31+$0xFFFFFFF0] =	vst v11;
	v57 =	vmul.f32 v49, v15;
	v10 =	vadd.f32 v47, v40;
	v55 =	vmul.f32 v14, v13  }
0xd3: {  	[tilespmem:s31+$0x0] =	vst v62;
	v8 =	vadd.f32 v8, v42;
	v58 =	vmul.f32 v21, v17;
	v6 =	vadd.f32 v52, v45  }
0xd4: {  	[tilespmem:s31+$0x10] =	vst v9;
	v60 =	vadd.f32 v54, v43;
	v10 =	vmul.f32 v10, v20;
	v5 =	vadd.f32 v55, v48  }
0xd5: {  	v9 =	vadd.f32 v57, v44;
	v8 =	vmul.f32 v8, v19;
	v2 =	vadd.f32 v58, v50;
	[tilespmem:s29+$0xFFFFFFC0] =	vst v6  }
0xd6: {  	v61 =	vmul.f32 v60, v18;
	v1 =	vadd.f32 v10, v51;
	[tilespmem:s29+$0xFFFFFFD0] =	vst v5  }
0xd7: {  	v62 =	vmul.f32 v9, v15;
	v3 =	vadd.f32 v8, v53;
	[tilespmem:s29+$0xFFFFFFE0] =	vst v2  }
0xd8: {  	v63 =	vadd.f32 v61, v56;
	[tilespmem:s29+$0xFFFFFFF0] =	vst v1  }
0xd9: {  	p0 =	seq.s32 s28, $0x7;
	v0 =	vadd.f32 v62, v59;
	[tilespmem:s29+$0x0] =	vst v3  }
0xda: {  	s1 =	sshrl.u32 s30, $0x3;
	p1 =	seq.s32 @!p0 s28, $0x0;
	[tilespmem:s29+$0x10] =	vst v63  }
0xdb: {  	s1 =	sadd.s32 s5, s1;
	p1 =	por p0, !p1;
	[tilespmem:s29+$0x20] =	vst v0  }
0xdc: {  	[hbm4b:s1+s6] =	stream.linear.scatter [tilespmem:s21], [sflag:$0x3], $0x2000, $0x38;
	[tilespmem:$0x8300] =	vst v63  }
.Ltmp3:
0xdd: {  	s1 =	sshrl.u32 @!p0 s30, $0x3;
	(pc) =	sbr.rel @!p1 .LBB2_6-.Ltmp3, $4  }
0xde: {  	s1 =	sadd.s32 @!p0 s0, s1  }
0xdf: {  	s2 =	simm.s32 @!p0 $0x0;
	s29 =	simm.s32 @!p0 $0x300;
	s1 =	sadd.s32 @!p0 $0x800, s1  }
0xe0: {  	[tilespmem:s29], [sflag:$0x1] =	stream.linear.gather @!p0 [hbm4b:s1+s2], $0x2000, $0x38;
	[tilespmem:$0x8300] =	vst v63  }
0xe1: {  	s29 =	sor.u32 @!p0 $0x2000, s30  }
0xe2: {  	_ =	swait.ge [sflag:s25], $0x2000  }
0xe3: {  	[sflag:s25] =	ssyncset.done $0x0  }
0xe4: {  	s29 =	smov.u32 @p0 s10;
	[sflag:s25] =	ssyncadd.s32 $0xFFFFE000  }
.LBB2_6:
0xe5: {  	_ =	swait.ge [sflag:s22], $0x2000  }
0xe6: {  	[sflag:s22] =	ssyncset.done $0x0  }
0xe7: {  	s1 =	simm.s32 $0x2340;
	[sflag:s22] =	ssyncadd.s32 $0xFFFFE000  }
0xe8: {  	v0 =	vld [tilespmem:s1+$0x30]  }
0xe9: {  	v1 =	vld [tilespmem:s1+$0xFFFFFFD0]  }
0xea: {  	v2 =	vld [tilespmem:s1+$0xFFFFFFE0]  }
0xeb: {  	v3 =	vld [tilespmem:s1+$0xFFFFFFF0]  }
0xec: {  	v4 =	vld [tilespmem:s1+$0x0]  }
0xed: {  	v5 =	vld [tilespmem:s1+$0x10]  }
0xee: {  	v6 =	vld [tilespmem:s1+$0xFFFFFFC0];
	v0 =	vmul.f32 $1.600000000e+01, v0  }
0xef: {  	v7 =	vld [tilespmem:s1+$0x20];
	v1 =	vmul.f32 $1.600000000e+01, v1  }
0xf0: {  	v2 =	vmul.f32 $1.600000000e+01, v2;
	v8 =	vadd.f32 $3.200000000e+01, v0  }
0xf1: {  	v0 =	vmul.f32 $1.600000000e+01, v3;
	v9 =	vadd.f32 $3.200000000e+01, v1  }
0xf2: {  	v2 =	vadd.f32 $3.200000000e+01, v2;
	v1 =	vmul.f32 $1.600000000e+01, v4;
	v3 =	vmax.f32 v8, $0.0e+00  }
0xf3: {  	v4 =	vadd.f32 $3.200000000e+01, v0;
	v0 =	vmul.f32 $1.600000000e+01, v5;
	v5 =	vmul.f32 $1.600000000e+01, v6  }
0xf4: {  	v6 =	vadd.f32 $3.200000000e+01, v1;
	v1 =	vmul.f32 $1.600000000e+01, v7;
	v3 =	vmin.f32 v3, $6.300000000e+01  }
0xf5: {  	v3 =	vtrunc.f32 v3;
	v12 =	vadd.f32 $3.200000000e+01, v0;
	v5 =	vadd.f32 $3.200000000e+01, v5  }
0xf6: {  	v0 =	vmax.f32 v9, $0.0e+00;
	v17 =	vadd.f32 $3.200000000e+01, v1;
	v7 =	vcvt.f32.s32 v3  }
0xf7: {  	v1 =	vmax.f32 v4, $0.0e+00;
	v10 =	vmax.f32 v6, $0.0e+00;
	v3 =	vmax.f32 v2, $0.0e+00  }
0xf8: {  	v0 =	vmin.f32 v0, $6.300000000e+01;
	v10 =	vmin.f32 v10, $6.300000000e+01;
	v11 =	vmax.f32 v5, $0.0e+00  }
0xf9: {  	v0 =	vtrunc.f32 v0;
	v10 =	vtrunc.f32 v10;
	v11 =	vmin.f32 v11, $6.300000000e+01  }
0xfa: {  	v3 =	vmin.f32 v3, $6.300000000e+01;
	v16 =	vcvt.f32.s32 v10;
	v11 =	vtrunc.f32 v11  }
0xfb: {  	v1 =	vmin.f32 v1, $6.300000000e+01;
	v3 =	vtrunc.f32 v3;
	v18 =	vcvt.f32.s32 v11  }
0xfc: {  	v11 =	vtrunc.f32 v1;
	v1 =	vcvt.f32.s32 v0;
	v15 =	vld.idx.msk [tilespmem:v7+s20+$0x0], $0xffff  }
0xfd: {  	v0 =	vcvt.f32.s32 v3;
	v20 =	vld.idx.msk [tilespmem:v7+s19+$0x0], $0xffff  }
0xfe: {  	v10 =	vld.idx.msk [tilespmem:v7+s18+$0x0], $0xffff  }
0xff: {  	v13 =	vmax.f32 v12, $0.0e+00;
	v21 =	vld.idx.msk [tilespmem:v7+s17+$0x0], $0xffff  }
0x100: {  	v13 =	vmin.f32 v13, $6.300000000e+01;
	v19 =	vcvt.s32.f32 v7;
	v26 =	vld.idx.msk [tilespmem:v16+s20+$0x0], $0xffff  }
0x101: {  	v14 =	vmax.f32 v17, $0.0e+00;
	v13 =	vtrunc.f32 v13;
	v3 =	vcvt.f32.s32 v11;
	v22 =	vld.idx.msk [tilespmem:v18+s20+$0x0], $0xffff  }
0x102: {  	v8 =	vsub.f32 v8, v19;
	v11 =	vmin.f32 v14, $6.300000000e+01;
	v14 =	vcvt.f32.s32 v13;
	v19 =	vld.idx.msk [tilespmem:v1+s20+$0x0], $0xffff  }
0x103: {  	v11 =	vtrunc.f32 v11;
	v23 =	vld.idx.msk [tilespmem:v0+s20+$0x0], $0xffff  }
0x104: {  	v7 =	vcvt.f32.s32 v11;
	v28 =	vld.idx.msk [tilespmem:v18+s19+$0x0], $0xffff  }
0x105: {  	v32 =	vld.idx.msk [tilespmem:v0+s19+$0x0], $0xffff;
	v11 =	vmul.f32 v8, v15  }
0x106: {  	v39 =	vld.idx.msk [tilespmem:v0+s18+$0x0], $0xffff  }
0x107: {  	v25 =	vld.idx.msk [tilespmem:v3+s20+$0x0], $0xffff;
	v11 =	vadd.f32 v11, v20  }
0x108: {  	v15 =	vcvt.s32.f32 v1;
	v59 =	vld.idx.msk [tilespmem:v14+s19+$0x0], $0xffff  }
0x109: {  	v13 =	vcvt.s32.f32 v18;
	v20 =	vld.idx.msk [tilespmem:v14+s20+$0x0], $0xffff;
	v24 =	vmul.f32 v11, v8  }
0x10a: {  	v31 =	vcvt.s32.f32 v16;
	v29 =	vcvt.s32.f32 v0;
	v27 =	vld.idx.msk [tilespmem:v7+s20+$0x0], $0xffff;
	v15 =	vsub.f32 v9, v15  }
0x10b: {  	v30 =	vcvt.s32.f32 v3;
	v11 =	vsub.f32 v5, v13;
	v5 =	vld.idx.msk [tilespmem:v1+s19+$0x0], $0xffff;
	v9 =	vadd.f32 v24, v10  }
0x10c: {  	s2 =	simm.s32 $0x23C0;
	v33 =	vcvt.s32.f32 v14;
	v34 =	vcvt.s32.f32 v7;
	v24 =	vsub.f32 v2, v29;
	v2 =	vld.idx.msk [tilespmem:v3+s19+$0x0], $0xffff  }
0x10d: {  	v13 =	vsub.f32 v4, v30;
	v10 =	vsub.f32 v6, v31;
	v6 =	vld [tilespmem:s2+$0x30];
	v4 =	vmul.f32 v9, v8  }
0x10e: {  	v9 =	vsub.f32 v12, v33;
	v8 =	vsub.f32 v17, v34;
	v12 =	vmul.f32 v11, v22;
	v17 =	vld [tilespmem:s2+$0xFFFFFFD0]  }
0x10f: {  	v22 =	vmul.f32 v13, v25;
	v25 =	vld [tilespmem:s2+$0xFFFFFFF0];
	v29 =	vadd.f32 v4, v21;
	v4 =	vmul.f32 v15, v19  }
0x110: {  	v19 =	vmul.f32 v24, v23;
	v21 =	vld [tilespmem:s2+$0xFFFFFFE0];
	v23 =	vmul.f32 v10, v26  }
0x111: {  	v12 =	vadd.f32 v12, v28;
	v20 =	vmul.f32 v9, v20;
	v26 =	vmul.f32 v8, v27;
	v27 =	vld [tilespmem:s2+$0x10]  }
0x112: {  	v28 =	vld [tilespmem:s2+$0xFFFFFFC0];
	v6 =	vmul.f32 $1.600000000e+01, v6;
	v2 =	vadd.f32 v22, v2;
	v4 =	vadd.f32 v4, v5  }
0x113: {  	v5 =	vld [tilespmem:s2+$0x0];
	v12 =	vmul.f32 v12, v11;
	v19 =	vadd.f32 v19, v32;
	v17 =	vmul.f32 $1.600000000e+01, v17  }
0x114: {  	v32 =	vadd.f32 v20, v59;
	v31 =	vmul.f32 v2, v13;
	v2 =	vmul.f32 $1.600000000e+01, v25  }
0x115: {  	v30 =	vadd.f32 $3.200000000e+01, v6;
	v4 =	vmul.f32 v4, v15;
	v19 =	vmul.f32 v19, v24  }
0x116: {  	v22 =	vld [tilespmem:s2+$0x20];
	v32 =	vmul.f32 v32, v9;
	v21 =	vmul.f32 $1.600000000e+01, v21;
	v17 =	vadd.f32 $3.200000000e+01, v17  }
0x117: {  	v60 =	vadd.f32 $3.200000000e+01, v2;
	v2 =	vmul.f32 $1.600000000e+01, v27;
	v28 =	vmul.f32 $1.600000000e+01, v28  }
0x118: {  	v44 =	vld.idx.msk [tilespmem:v16+s18+$0x0], $0xffff;
	v39 =	vadd.f32 v19, v39;
	v25 =	vadd.f32 $3.200000000e+01, v21;
	v5 =	vmul.f32 $1.600000000e+01, v5  }
0x119: {  	v6 =	vld.idx.msk [tilespmem:v16+s19+$0x0], $0xffff;
	v21 =	vmax.f32 v30, $0.0e+00;
	v35 =	vadd.f32 $3.200000000e+01, v2;
	v2 =	vmax.f32 v17, $0.0e+00  }
0x11a: {  	v27 =	vld.idx.msk [tilespmem:v7+s19+$0x0], $0xffff;
	v28 =	vadd.f32 $3.200000000e+01, v28;
	v21 =	vmin.f32 v21, $6.300000000e+01;
	v2 =	vmin.f32 v2, $6.300000000e+01  }
0x11b: {  	v50 =	vld.idx.msk [tilespmem:v18+s17+$0x0], $0xffff;
	v39 =	vmul.f32 v39, v24;
	v61 =	vadd.f32 $3.200000000e+01, v5;
	v5 =	vmul.f32 $1.600000000e+01, v22  }
0x11c: {  	v51 =	vld.idx.msk [tilespmem:v1+s17+$0x0], $0xffff;
	v21 =	vtrunc.f32 v21;
	v37 =	vmax.f32 v25, $0.0e+00;
	v42 =	vmax.f32 v35, $0.0e+00  }
0x11d: {  	v41 =	vld.idx.msk [tilespmem:v3+s18+$0x0], $0xffff;
	v45 =	vmax.f32 v28, $0.0e+00;
	v2 =	vtrunc.f32 v2;
	v36 =	vcvt.f32.s32 v21  }
0x11e: {  	v22 =	vld.idx.msk [tilespmem:v18+s18+$0x0], $0xffff;
	v18 =	vadd.f32 v23, v6;
	v37 =	vmin.f32 v37, $6.300000000e+01;
	v45 =	vmin.f32 v45, $6.300000000e+01  }
0x11f: {  	v46 =	vld.idx.msk [tilespmem:v14+s18+$0x0], $0xffff;
	v42 =	vmin.f32 v42, $6.300000000e+01;
	v26 =	vadd.f32 v26, v27;
	v38 =	vadd.f32 $3.200000000e+01, v5  }
0x120: {  	v47 =	vld.idx.msk [tilespmem:v7+s18+$0x0], $0xffff;
	v40 =	vmax.f32 v61, $0.0e+00;
	v45 =	vtrunc.f32 v45;
	v37 =	vtrunc.f32 v37  }
0x121: {  	v21 =	vld.idx.msk [tilespmem:v1+s18+$0x0], $0xffff;
	v42 =	vtrunc.f32 v42;
	v57 =	vmul.f32 v18, v10;
	v40 =	vmin.f32 v40, $6.300000000e+01  }
0x122: {  	v5 =	vmax.f32 v60, $0.0e+00;
	v62 =	vcvt.s32.f32 v36;
	v23 =	vtrunc.f32 v40;
	v40 =	vld.idx.msk [tilespmem:v0+s17+$0x0], $0xffff  }
0x123: {  	v5 =	vmin.f32 v5, $6.300000000e+01;
	v6 =	vcvt.f32.s32 v45;
	v26 =	vmul.f32 v26, v8;
	v48 =	vld.idx.msk [tilespmem:v36+s20+$0x0], $0xffff  }
0x124: {  	v49 =	vtrunc.f32 v5;
	v27 =	vsub.f32 v30, v62;
	v30 =	vadd.f32 v12, v22;
	v12 =	vld.idx.msk [tilespmem:v3+s17+$0x0], $0xffff  }
0x125: {  	v43 =	vmax.f32 v38, $0.0e+00;
	v5 =	vcvt.f32.s32 v2;
	v2 =	vcvt.f32.s32 v37;
	v20 =	vld.idx.msk [tilespmem:v36+s19+$0x0], $0xffff  }
0x126: {  	v43 =	vmin.f32 v43, $6.300000000e+01;
	v1 =	vcvt.f32.s32 v49;
	v3 =	vcvt.f32.s32 v23;
	v23 =	vld.idx.msk [tilespmem:v7+s17+$0x0], $0xffff  }
0x127: {  	v43 =	vtrunc.f32 v43;
	v52 =	vadd.f32 v4, v21;
	v4 =	vcvt.f32.s32 v42;
	v21 =	vld.idx.msk [tilespmem:v16+s17+$0x0], $0xffff  }
0x128: {  	v41 =	vadd.f32 v31, v41;
	v16 =	vcvt.s32.f32 v6;
	v63 =	vld.idx.msk [tilespmem:v36+s18+$0x0], $0xffff;
	v22 =	vmul.f32 v27, v48  }
0x129: {  	s31 =	simm.s32 $0x6340;
	v37 =	vadd.f32 v57, v44;
	v19 =	vcvt.s32.f32 v5;
	v53 =	vcvt.s32.f32 v2;
	v31 =	vld.idx.msk [tilespmem:v36+s17+$0x0], $0xffff  }
0x12a: {  	[tilespmem:s31+$0x30] =	vst v29;
	v0 =	vcvt.f32.s32 v43;
	v54 =	vcvt.s32.f32 v1;
	v29 =	vld.idx.msk [tilespmem:v6+s20+$0x0], $0xffff;
	v20 =	vadd.f32 v22, v20  }
0x12b: {  	v30 =	vmul.f32 v30, v11;
	v11 =	vmul.f32 v41, v13;
	v33 =	vld.idx.msk [tilespmem:v6+s19+$0x0], $0xffff  }
0x12c: {  	v13 =	vmul.f32 v37, v10;
	v56 =	vld.idx.msk [tilespmem:v5+s20+$0x0], $0xffff;
	v20 =	vmul.f32 v20, v27  }
0x12d: {  	v7 =	vsub.f32 v28, v16;
	v28 =	vcvt.s32.f32 v4;
	v22 =	vld.idx.msk [tilespmem:v14+s17+$0x0], $0xffff;
	v14 =	vsub.f32 v17, v19  }
0x12e: {  	v16 =	vcvt.s32.f32 v3;
	v58 =	vld.idx.msk [tilespmem:v2+s20+$0x0], $0xffff;
	v17 =	vsub.f32 v25, v53;
	v25 =	vadd.f32 v20, v63  }
0x12f: {  	v62 =	vmul.f32 v52, v15;
	v10 =	vadd.f32 v39, v40;
	v18 =	vsub.f32 v35, v28;
	v59 =	vld.idx.msk [tilespmem:v1+s20+$0x0], $0xffff  }
0x130: {  	v35 =	vadd.f32 v30, v50;
	v20 =	vsub.f32 v60, v54;
	v60 =	vld.idx.msk [tilespmem:v3+s20+$0x0], $0xffff;
	v25 =	vmul.f32 v25, v27  }
0x131: {  	v55 =	vcvt.s32.f32 v0;
	v28 =	vld.idx.msk [tilespmem:v4+s20+$0x0], $0xffff;
	v19 =	vsub.f32 v61, v16;
	v61 =	vadd.f32 v32, v46  }
0x132: {  	v15 =	vmul.f32 v7, v29;
	v63 =	vadd.f32 v26, v47;
	v25 =	vadd.f32 v25, v31;
	v31 =	vld.idx.msk [tilespmem:v0+s20+$0x0], $0xffff  }
0x133: {  	v34 =	vadd.f32 v62, v51;
	v30 =	vld.idx.msk [tilespmem:v1+s19+$0x0], $0xffff;
	v9 =	vmul.f32 v61, v9;
	v26 =	vmul.f32 v17, v58  }
0x134: {  	s30 =	simm.s32 $0x63C0;
	v16 =	vsub.f32 v38, v55;
	v32 =	vld.idx.msk [tilespmem:v5+s19+$0x0], $0xffff;
	v27 =	vmul.f32 v14, v56;
	v8 =	vmul.f32 v63, v8  }
0x135: {  	s1 =	simm.s32 $0x80;
	s2 =	simm.s32 $0x2440;
	v29 =	vld.idx.msk [tilespmem:v2+s19+$0x0], $0xffff;
	v24 =	vmul.f32 v19, v60;
	[tilespmem:s30+$0x30] =	vst v25;
	v25 =	vmul.f32 v20, v59  }
.LBB2_7:
0x136: {  	v36 =	vld [tilespmem:s2+$0x30];
	s1 =	sadd.s32 $0x80, s1;
	v28 =	vmul.f32 v18, v28;
	[tilespmem:s31+$0xFFFFFFC0] =	vst v35;
	v12 =	vadd.f32 v11, v12;
	v21 =	vadd.f32 v13, v21  }
0x137: {  	v31 =	vmul.f32 v16, v31;
	v22 =	vadd.f32 v9, v22;
	v35 =	vld [tilespmem:s2+$0xFFFFFFD0];
	p1 =	slt.u32 s1, $0x1F80;
	[tilespmem:s31+$0xFFFFFFD0] =	vst v34;
	v23 =	vadd.f32 v8, v23  }
0x138: {  	v13 =	vmovc v17;
	v11 =	vmovc v20;
	v9 =	vmov v19;
	v33 =	vadd.f32 v15, v33;
	v15 =	vmov v14;
	v34 =	vld [tilespmem:s2+$0xFFFFFFE0];
	[tilespmem:s31+$0xFFFFFFE0] =	vst v10  }
0x139: {  	v8 =	vmov v16;
	v17 =	vadd.f32 v27, v32;
	v10 =	vmov v18;
	v14 =	vld [tilespmem:s2+$0xFFFFFFF0];
	[tilespmem:s31+$0xFFFFFFF0] =	vst v12  }
0x13a: {  	v16 =	vmul.f32 v33, v7;
	v18 =	vadd.f32 v26, v29;
	v12 =	vld [tilespmem:s2+$0x0];
	[tilespmem:s31+$0x0] =	vst v21  }
0x13b: {  	v17 =	vmul.f32 v17, v15;
	v21 =	vadd.f32 v25, v30;
	v19 =	vld [tilespmem:s2+$0x10];
	v20 =	vmul.f32 $1.600000000e+01, v36;
	[tilespmem:s31+$0x10] =	vst v22  }
0x13c: {  	v18 =	vmul.f32 v18, v13;
	v22 =	vmul.f32 $1.600000000e+01, v35;
	v25 =	vld [tilespmem:s2+$0x20];
	[tilespmem:s31+$0x20] =	vst v23;
	s31 =	smov.u32 s30  }
0x13d: {  	v27 =	vmul.f32 v21, v11;
	v23 =	vld [tilespmem:s2+$0xFFFFFFC0];
	v26 =	vmul.f32 $1.600000000e+01, v34;
	v20 =	vadd.f32 $3.200000000e+01, v20  }
0x13e: {  	v29 =	vadd.f32 $3.200000000e+01, v22;
	v14 =	vmul.f32 $1.600000000e+01, v14;
	v21 =	vld.idx.msk [tilespmem:v3+s19+$0x0], $0xffff  }
0x13f: {  	v26 =	vadd.f32 $3.200000000e+01, v26;
	v12 =	vmul.f32 $1.600000000e+01, v12;
	v22 =	vmax.f32 v20, $0.0e+00;
	v30 =	vld.idx.msk [tilespmem:v4+s19+$0x0], $0xffff  }
0x140: {  	v32 =	vadd.f32 $3.200000000e+01, v14;
	v14 =	vmul.f32 $1.600000000e+01, v19;
	v19 =	vmin.f32 v22, $6.300000000e+01;
	v22 =	vld.idx.msk [tilespmem:v0+s19+$0x0], $0xffff  }
0x141: {  	v33 =	vadd.f32 $3.200000000e+01, v12;
	v12 =	vmul.f32 $1.600000000e+01, v25;
	v19 =	vtrunc.f32 v19;
	v25 =	vld.idx.msk [tilespmem:v6+s18+$0x0], $0xffff  }
0x142: {  	v23 =	vmul.f32 $1.600000000e+01, v23;
	v34 =	vadd.f32 $3.200000000e+01, v14;
	v14 =	vcvt.f32.s32 v19;
	v19 =	vld.idx.msk [tilespmem:v5+s18+$0x0], $0xffff  }
0x143: {  	v35 =	vmax.f32 v29, $0.0e+00;
	v36 =	vmax.f32 v26, $0.0e+00;
	v37 =	vadd.f32 $3.200000000e+01, v12;
	v38 =	vld.idx.msk [tilespmem:v2+s18+$0x0], $0xffff  }
0x144: {  	v12 =	vmax.f32 v32, $0.0e+00;
	v39 =	vadd.f32 $3.200000000e+01, v23;
	v23 =	vmax.f32 v33, $0.0e+00;
	v40 =	vld.idx.msk [tilespmem:v1+s18+$0x0], $0xffff  }
0x145: {  	v35 =	vmin.f32 v35, $6.300000000e+01;
	v41 =	vmax.f32 v34, $0.0e+00;
	v42 =	vmax.f32 v37, $0.0e+00;
	v43 =	vld.idx.msk [tilespmem:v3+s18+$0x0], $0xffff  }
0x146: {  	v36 =	vmin.f32 v36, $6.300000000e+01;
	v12 =	vmin.f32 v12, $6.300000000e+01;
	v44 =	vmax.f32 v39, $0.0e+00;
	v45 =	vld.idx.msk [tilespmem:v4+s18+$0x0], $0xffff  }
0x147: {  	v23 =	vmin.f32 v23, $6.300000000e+01;
	v41 =	vmin.f32 v41, $6.300000000e+01;
	v44 =	vmin.f32 v44, $6.300000000e+01;
	v46 =	vld.idx.msk [tilespmem:v0+s18+$0x0], $0xffff  }
0x148: {  	v35 =	vtrunc.f32 v35;
	v42 =	vmin.f32 v42, $6.300000000e+01;
	v44 =	vtrunc.f32 v44;
	v47 =	vld.idx.msk [tilespmem:v14+s20+$0x0], $0xffff  }
0x149: {  	v36 =	vtrunc.f32 v36;
	v24 =	vadd.f32 v24, v21;
	v48 =	vtrunc.f32 v12;
	v49 =	vld.idx.msk [tilespmem:v6+s17+$0x0], $0xffff  }
0x14a: {  	v28 =	vadd.f32 v28, v30;
	v12 =	vcvt.s32.f32 v14;
	v21 =	vtrunc.f32 v23;
	v23 =	vld.idx.msk [tilespmem:v14+s19+$0x0], $0xffff  }
0x14b: {  	v31 =	vadd.f32 v31, v22;
	v30 =	vtrunc.f32 v41;
	v41 =	vtrunc.f32 v42;
	v42 =	vld.idx.msk [tilespmem:v5+s17+$0x0], $0xffff  }
0x14c: {  	v6 =	vcvt.f32.s32 v44;
	v5 =	vcvt.f32.s32 v35;
	v35 =	vsub.f32 v20, v12;
	v44 =	vld.idx.msk [tilespmem:v2+s17+$0x0], $0xffff  }
0x14d: {  	v25 =	vadd.f32 v16, v25;
	v2 =	vcvt.f32.s32 v36;
	v12 =	vld.idx.msk [tilespmem:v1+s17+$0x0], $0xffff;
	v1 =	vcvt.f32.s32 v48  }
0x14e: {  	v16 =	vcvt.f32.s32 v21;
	v36 =	vadd.f32 v17, v19;
	v22 =	vmul.f32 v35, v47;
	v20 =	vld.idx.msk [tilespmem:v14+s18+$0x0], $0xffff  }
0x14f: {  	v17 =	vcvt.f32.s32 v30;
	v19 =	vcvt.f32.s32 v41;
	v30 =	vadd.f32 v18, v38;
	v21 =	vld.idx.msk [tilespmem:v3+s17+$0x0], $0xffff  }
0x150: {  	v18 =	vcvt.s32.f32 v6;
	v38 =	vcvt.s32.f32 v5;
	v41 =	vadd.f32 v22, v23;
	v3 =	vmovc v16;
	v22 =	vld.idx.msk [tilespmem:v4+s17+$0x0], $0xffff  }
0x151: {  	v40 =	vadd.f32 v27, v40;
	v16 =	vcvt.s32.f32 v2;
	v47 =	vcvt.s32.f32 v1;
	v4 =	vmovc v17;
	v23 =	vld.idx.msk [tilespmem:v0+s17+$0x0], $0xffff;
	v0 =	vmovc v19  }
0x152: {  	v39 =	vsub.f32 v39, v18;
	v18 =	vcvt.s32.f32 v3;
	v19 =	vmul.f32 v41, v35;
	v27 =	vld.idx.msk [tilespmem:v14+s17+$0x0], $0xffff  }
0x153: {  	v14 =	vsub.f32 v29, v38;
	v29 =	vcvt.s32.f32 v4;
	v38 =	vcvt.s32.f32 v0;
	v41 =	vld.idx.msk [tilespmem:v6+s20+$0x0], $0xffff  }
0x154: {  	v24 =	vmul.f32 v24, v9;
	v17 =	vsub.f32 v26, v16;
	v26 =	vadd.f32 v19, v20;
	v48 =	vld.idx.msk [tilespmem:v5+s20+$0x0], $0xffff  }
0x155: {  	v28 =	vmul.f32 v28, v10;
	v20 =	vsub.f32 v32, v47;
	v19 =	vsub.f32 v33, v18;
	v50 =	vld.idx.msk [tilespmem:v2+s20+$0x0], $0xffff  }
0x156: {  	v18 =	vsub.f32 v34, v29;
	v16 =	vsub.f32 v37, v38;
	v26 =	vmul.f32 v26, v35;
	v47 =	vld.idx.msk [tilespmem:v1+s20+$0x0], $0xffff  }
0x157: {  	v24 =	vadd.f32 v24, v43;
	v38 =	vadd.f32 v28, v45;
	v29 =	vmul.f32 v31, v8;
	v37 =	vld.idx.msk [tilespmem:v3+s20+$0x0], $0xffff  }
0x158: {  	v25 =	vmul.f32 v25, v7;
	v34 =	vmul.f32 v36, v15;
	v26 =	vadd.f32 v26, v27;
	v28 =	vld.idx.msk [tilespmem:v4+s20+$0x0], $0xffff  }
.Ltmp4:
0x159: {  	s30 =	sadd.s32 $0x80, s30;
	v36 =	vmul.f32 v30, v13;
	v15 =	vmul.f32 v39, v41;
	v41 =	vadd.f32 v29, v46;
	v31 =	vld.idx.msk [tilespmem:v0+s20+$0x0], $0xffff;
	(pc) =	sbr.rel @p1 .LBB2_7-.Ltmp4, $4  }
0x15a: {  	v11 =	vmul.f32 v40, v11;
	v7 =	vmov v39;
	v27 =	vmul.f32 v14, v48;
	v33 =	vld.idx.msk [tilespmem:v6+s19+$0x0], $0xffff;
	[tilespmem:s30+$0x30] =	vst v26  }
0x15b: {  	v13 =	vmul.f32 v24, v9;
	v35 =	vadd.f32 v25, v49;
	v26 =	vmul.f32 v17, v50;
	v32 =	vld.idx.msk [tilespmem:v5+s19+$0x0], $0xffff  }
0x15c: {  	v34 =	vadd.f32 v34, v42;
	v9 =	vmul.f32 v38, v10;
	v25 =	vmul.f32 v20, v47;
	v29 =	vld.idx.msk [tilespmem:v2+s19+$0x0], $0xffff  }
0x15d: {  	s2 =	sadd.s32 $0x80, s2;
	v10 =	vadd.f32 v36, v44;
	v8 =	vmul.f32 v41, v8;
	v24 =	vmul.f32 v19, v37;
	v30 =	vld.idx.msk [tilespmem:v1+s19+$0x0], $0xffff  }
0x15e: {  	_ =	sdelay $0x3  }
0x15f: {  	v36 =	vld.idx.msk [tilespmem:v3+s19+$0x0], $0xffff  }
0x160: {  	v37 =	vld.idx.msk [tilespmem:v4+s19+$0x0], $0xffff  }
0x161: {  	v38 =	vld.idx.msk [tilespmem:v0+s19+$0x0], $0xffff  }
0x162: {  	v39 =	vld.idx.msk [tilespmem:v6+s18+$0x0], $0xffff  }
0x163: {  	v63 =	vld.idx.msk [tilespmem:v5+s18+$0x0], $0xffff  }
0x164: {  	v40 =	vld.idx.msk [tilespmem:v1+s18+$0x0], $0xffff  }
0x165: {  	v42 =	vld.idx.msk [tilespmem:v3+s18+$0x0], $0xffff  }
0x166: {  	v43 =	vld.idx.msk [tilespmem:v4+s18+$0x0], $0xffff  }
0x167: {  	v44 =	vld.idx.msk [tilespmem:v0+s18+$0x0], $0xffff  }
0x168: {  	v45 =	vld.idx.msk [tilespmem:v6+s17+$0x0], $0xffff  }
0x169: {  	[tilespmem:s31+$0xFFFFFFC0] =	vst v35;
	v48 =	vld.idx.msk [tilespmem:v5+s17+$0x0], $0xffff  }
0x16a: {  	v11 =	vadd.f32 v11, v12;
	v62 =	vadd.f32 v13, v21;
	[tilespmem:s31+$0xFFFFFFD0] =	vst v34;
	v50 =	vld.idx.msk [tilespmem:v2+s17+$0x0], $0xffff  }
0x16b: {  	v9 =	vadd.f32 v9, v22;
	v34 =	vmul.f32 v18, v28;
	v51 =	vld.idx.msk [tilespmem:v1+s17+$0x0], $0xffff;
	v15 =	vadd.f32 v15, v33  }
0x16c: {  	v35 =	vmul.f32 v16, v31;
	v33 =	vld.idx.msk [tilespmem:v2+s18+$0x0], $0xffff;
	v8 =	vadd.f32 v8, v23;
	v41 =	vadd.f32 v27, v32  }
0x16d: {  	v53 =	vld.idx.msk [tilespmem:v3+s17+$0x0], $0xffff;
	v15 =	vmul.f32 v15, v7;
	v26 =	vadd.f32 v26, v29;
	v25 =	vadd.f32 v25, v30  }
0x16e: {  	v56 =	vld.idx.msk [tilespmem:v4+s17+$0x0], $0xffff;
	v23 =	vmul.f32 v41, v14;
	v46 =	vadd.f32 v24, v36;
	v22 =	vadd.f32 v34, v37  }
0x16f: {  	v59 =	vld.idx.msk [tilespmem:v0+s17+$0x0], $0xffff;
	v26 =	vmul.f32 v26, v17;
	v15 =	vadd.f32 v15, v39;
	v49 =	vadd.f32 v35, v38  }
0x170: {  	[tilespmem:s31+$0x20] =	vst v8;
	v47 =	vmul.f32 v25, v20;
	v13 =	vadd.f32 v23, v63;
	v8 =	vmul.f32 v46, v19  }
0x171: {  	[tilespmem:s31+$0xFFFFFFE0] =	vst v10;
	v21 =	vadd.f32 v26, v33;
	v52 =	vmul.f32 v15, v7;
	v54 =	vmul.f32 v22, v18  }
0x172: {  	[tilespmem:s31+$0xFFFFFFF0] =	vst v11;
	v57 =	vmul.f32 v49, v16;
	v10 =	vadd.f32 v47, v40;
	v55 =	vmul.f32 v13, v14  }
0x173: {  	[tilespmem:s31+$0x0] =	vst v62;
	v8 =	vadd.f32 v8, v42;
	v58 =	vmul.f32 v21, v17;
	v6 =	vadd.f32 v52, v45  }
0x174: {  	[tilespmem:s31+$0x10] =	vst v9;
	v60 =	vadd.f32 v54, v43;
	v10 =	vmul.f32 v10, v20;
	v5 =	vadd.f32 v55, v48  }
0x175: {  	v9 =	vadd.f32 v57, v44;
	v8 =	vmul.f32 v8, v19;
	v2 =	vadd.f32 v58, v50;
	[tilespmem:s30+$0xFFFFFFC0] =	vst v6  }
0x176: {  	v61 =	vmul.f32 v60, v18;
	v1 =	vadd.f32 v10, v51;
	[tilespmem:s30+$0xFFFFFFD0] =	vst v5  }
0x177: {  	v62 =	vmul.f32 v9, v16;
	v3 =	vadd.f32 v8, v53;
	[tilespmem:s30+$0xFFFFFFE0] =	vst v2  }
.Ltmp5:
0x178: {  	v63 =	vadd.f32 v61, v56;
	[tilespmem:s30+$0xFFFFFFF0] =	vst v1;
	(pc) =	sbr.rel @p0 .LBB2_10-.Ltmp5, $4  }
0x179: {  	v0 =	vadd.f32 v62, v59;
	[tilespmem:s30+$0x0] =	vst v3  }
0x17a: {  	s1 =	sshrl.u32 s29, $0x3;
	[tilespmem:s30+$0x10] =	vst v63  }
0x17b: {  	s2 =	sadd.s32 s5, s1;
	[tilespmem:s30+$0x20] =	vst v0  }
0x17c: {  	[hbm4b:s2+s6] =	stream.linear.scatter [tilespmem:s23], [sflag:$0x4], $0x2000, $0x38;
	[tilespmem:$0x8300] =	vst v63  }
.Ltmp6:
0x17d: {  	(pc) =	sbr.rel .LBB2_2-.Ltmp6, $4  }
0x17e: {  	_ = 	snop  }
0x17f: {  	s1 =	sadd.s32 s0, s1  }
0x180: {  	s28 =	sadd.s32 $0x1, s28;
	s1 =	sadd.s32 $0x800, s1  }
0x181: {  	[tilespmem:s13], [sflag:$0x2] =	stream.linear.gather [hbm4b:s1+s6], $0x2000, $0x38;
	[tilespmem:$0x8300] =	vst v63  }
.LBB2_11:
0x182: {  	_ =	sfence.sel $0x180000  }
0x183: {  	[bflag:$0x0] =	sbarrier.arrive $0xFFFF  }
0x184: {  	_ =	strace $0x90000047  }
0x185: {  	s0 =	stileid.u32;
	[bflag:$0x2] =	sbarrier.arrive $0xFFFF  }
0x186: {  	p0 =	sne.s32 s0, $0x0;
	s0 =	rddreg [dreg:$0x4]  }
0x187: {  	s0 =	sadd.s32 @!p0 $0x100000, s0  }
0x188: {  	[sflag:s0] =	ssyncadd.tile.s32 @!p0 $0x1;
	_ =	shalt  }
.Lfunc_end2:
_tile_overlayer_lowered:
.L_overlay_start_2:
0x189: {  	(tag) =	ssettag $0x2  }
0x18a: {  	s0 =	rddreg [dreg:$0x0];
	s2 =	stileid.u32  }
0x18b: {  	s1 =	rddreg [dreg:$0x1];
	p0 =	sne.s32 s2, $0x0  }
0x18c: {  	s3 =	rddreg [dreg:$0x2];
	[bflag:$0x3] =	sbarrier.arrive $0xFFFF;
	s2 =	simm.s32 @!p0 $0x1C05  }
0x18d: {  	[timem:s3], [sflag:s2] =	dma.local @!p0 [hbm:s0], s1  }
0x18e: {  	s0 =	simm.s32 @!p0 $0x5  }
0x18f: {  	_ =	swait.ge @!p0 [sflag:s0], s1  }
0x190: {  	s1 =	ssub.s32 @!p0 $0x0, s1;
	[sflag:s0] =	ssyncset.done @!p0 $0x0  }
0x191: {  	[sflag:s0] =	ssyncadd.s32 @!p0 s1  }
0x192: {  	[bflag:$0x3] =	sbarrier.arrive $0xFFFF  }
0x193: {  	_ =	shalt  }

</sc_bundles>
